<compile_context>
chip_gen: v7x
topology: tpu7x:2x2x1
jax: 0.10.2.dev20260603
libtpu: 0.0.44.dev20260713+nightly
codegen_flags: <defaults>
</compile_context>

<pallas_src>
import functools

import jax
import jax.numpy as jnp
from jax import lax
from jax.experimental import pallas as pl
from jax.experimental.pallas import tpu as pltpu
from jax.experimental.pallas import tpu_sc as plsc

_D0, _D1, _K = 2048, 2048, 4
_Q, _C = 64, 128

_mesh = plsc.VectorSubcoreMesh(core_axis_name="c", subcore_axis_name="s")


def _sc_body(x_hbm, o_hbm, zbuf, cbuf, dbuf):
    cid = lax.axis_index("c")
    sid = lax.axis_index("s")
    w = sid * 2 + cid
    g = w >> 1
    h = w & 1
    r0 = g * 128 + h * 64

    zero = jnp.zeros((16,), jnp.float32)

    def zrow(r, carry):
        for k in range(_K):
            for v in range(8):
                zbuf[r, k, pl.ds(16 * v, 16)] = zero
        return carry

    lax.fori_loop(0, 64, zrow, 0)

    def zjt(jt, carry):
        pltpu.sync_copy(zbuf, o_hbm.at[pl.ds(r0, 64), pl.ds(4 * jt, 4), :])
        return carry

    lax.fori_loop(0, g, zjt, 0)

    def cjt(jt, carry):
        src = x_hbm.at[pl.ds(r0, 64), pl.ds(4 * jt, 4), :]
        dst = o_hbm.at[pl.ds(r0, 64), pl.ds(4 * jt, 4), :]
        pltpu.sync_copy(src, cbuf)
        pltpu.sync_copy(cbuf, dst)
        return carry

    lax.fori_loop(g + 1, 16, cjt, 0)

    pltpu.sync_copy(x_hbm.at[pl.ds(r0, 64), pl.ds(4 * g, 4), :], dbuf)

    def drow(r, carry):
        t = h * 64 + r
        for k in range(_K):
            for v in range(8):
                c = lax.iota(jnp.int32, 16) + 16 * v
                vec = dbuf[r, k, pl.ds(16 * v, 16)]
                dbuf[r, k, pl.ds(16 * v, 16)] = jnp.where(c >= t, vec, 0.0)
        return carry

    lax.fori_loop(0, 64, drow, 0)
    pltpu.sync_copy(dbuf, o_hbm.at[pl.ds(r0, 64), pl.ds(4 * g, 4), :])


_sc_kernel = functools.partial(
    pl.kernel,
    out_type=jax.ShapeDtypeStruct((_D0, _Q, _C), jnp.float32),
    mesh=_mesh,
    scratch_types=[
        pltpu.VMEM((64, _K, _C), jnp.float32),
        pltpu.VMEM((64, _K, _C), jnp.float32),
        pltpu.VMEM((64, _K, _C), jnp.float32),
    ],
)(_sc_body)


def kernel(w):
    x = (w.reshape(_D0, 16, _C, _K)
          .transpose(0, 1, 3, 2)
          .reshape(_D0, _Q, _C))
    out = _sc_kernel(x)
    return (out.reshape(_D0, 16, _K, _C)
               .transpose(0, 1, 3, 2)
               .reshape(_D0, _D1, _K))

# --- scband reference (transcript-rebuilt; emitter-appended) ---
"""Pipeline reference for scband-causal-12799002542356 (READ-ONLY COPY).

The authoritative reference and input builder live on the scoring server;
editing this copy changes nothing except your own understanding.
"""

import jax, jax.numpy as jnp
import numpy as np

DIMS = (2048, 2048, 4)
I, J = 0, 1
ANTICAUSAL = False


def setup_inputs(seed: int = 0) -> dict:
    key = jax.random.key(seed)
    w = jax.random.normal(key, DIMS, dtype=jnp.float32)
    return {"w": w}


def reference(w) -> jnp.ndarray:
    dims = DIMS
    W = w.reshape(dims)
    D0, D1 = dims[0], dims[1]
    r0 = jnp.arange(D0)
    r1 = jnp.arange(D1)
    # torch.triu_indices(D0, D1, offset=1) gives pairs (a, b) with a < b.
    # causal branch zeroes C[triu_inds2, triu_inds1], i.e. entries with row > col;
    # anticausal zeroes entries with row < col.
    if ANTICAUSAL:
        keep = r0[:, None] >= r1[None, :]
    else:
        keep = r0[:, None] <= r1[None, :]
    # broadcast mask over remaining dims (I=0, J=1 here)
    extra = len(dims) - 2
    mask = keep.reshape((D0, D1) + (1,) * extra)
    C = jnp.where(mask, W, jnp.zeros((), dtype=W.dtype))
    return C.reshape(w.shape)

if __name__ == "__main__":
    import jax
    _d = setup_inputs()
    print(jax.jit(kernel)(*tuple(_d.values())))

</pallas_src>

<mosaic_0001>
#map = affine_map<(d0, d1) -> (0, 0, 0)>
module attributes {stable_mosaic.version = 14 : i64} {
  func.func @_sc_body(%arg0: i32, %arg1: i32, %arg2: memref<2048x64x128xf32, #tpu.memory_space<hbm>>, %arg3: memref<2048x64x128xf32, #tpu.memory_space<hbm>>, %arg4: memref<64x4x128xf32, #tpu.memory_space<vmem>>, %arg5: memref<64x4x128xf32, #tpu.memory_space<vmem>>, %arg6: memref<64x4x128xf32, #tpu.memory_space<vmem>>) attributes {dimension_semantics = [#tpu.dimension_semantics<core_parallel>, #tpu.dimension_semantics<subcore_parallel>], iteration_bounds = array<i64: 2, 16>, scalar_prefetch = 0 : i64, scratch_operands = 3 : i64, tpu.core_type = #tpu.core_type<sc_vector_subcore>, window_params = [{transform_indices = #map}, {transform_indices = #map}]} {
    %mul3A = arith.constant 2 : i32
    %mul3A_0 = arith.muli %arg1, %mul3A : i32
    %add3A = arith.addi %mul3A_0, %arg0 : i32
    %shift_right_arithmetic3A = arith.constant 1 : i32
    %shift_right_arithmetic3A_1 = arith.shrsi %add3A, %shift_right_arithmetic3A : i32
    %and3A = arith.constant 1 : i32
    %and3A_2 = arith.andi %add3A, %and3A : i32
    %mul3A_3 = arith.constant 128 : i32
    %mul3A_4 = arith.muli %shift_right_arithmetic3A_1, %mul3A_3 : i32
    %mul3A_5 = arith.constant 64 : i32
    %mul3A_6 = arith.muli %and3A_2, %mul3A_5 : i32
    %add3A_7 = arith.addi %mul3A_4, %mul3A_6 : i32
    %broadcast_in_dim3A = arith.constant 0.000000e+00 : f32
    %broadcast_in_dim3A_8 = vector.broadcast %broadcast_in_dim3A : f32 to vector<16xf32>
    %scan3A = arith.constant 0 : i32
    %scan3A_9 = arith.constant 0 : i32
    %scan3A_10 = arith.constant 64 : i32
    %scan3A_11 = arith.addi %scan3A_9, %scan3A_10 : i32
    %scan3A_12 = arith.constant 1 : i32
    scf.for %scan3A_45 = %scan3A_9 to %scan3A_11 step %scan3A_12  : i32 {
      %swap3A = arith.constant 0 : i32
      %swap3A_46 = arith.index_cast %scan3A_45 : i32 to index
      %swap3A_47 = arith.index_cast %swap3A : i32 to index
      %swap3A_48 = arith.constant 0 : index
      %swap3A_49 = tpu.vector_load %arg4[%swap3A_46, %swap3A_47, %swap3A_48] {strides = array<i32>} : memref<64x4x128xf32, #tpu.memory_space<vmem>>, vector<1x1x16xf32>,
      %swap3A_50 = vector.shape_cast %swap3A_49 : vector<1x1x16xf32> to vector<16xf32>
      %swap3A_51 = vector.shape_cast %broadcast_in_dim3A_8 : vector<16xf32> to vector<1x1x16xf32>
      tpu.vector_store %arg4[%swap3A_46, %swap3A_47, %swap3A_48], %swap3A_51 {strides = array<i32>} : memref<64x4x128xf32, #tpu.memory_space<vmem>>, vector<1x1x16xf32>,
      %swap3A_52 = arith.constant 0 : i32
      %swap3A_53 = arith.index_cast %scan3A_45 : i32 to index
      %swap3A_54 = arith.index_cast %swap3A_52 : i32 to index
      %swap3A_55 = arith.constant 16 : index
      %swap3A_56 = tpu.vector_load %arg4[%swap3A_53, %swap3A_54, %swap3A_55] {strides = array<i32>} : memref<64x4x128xf32, #tpu.memory_space<vmem>>, vector<1x1x16xf32>,
      %swap3A_57 = vector.shape_cast %swap3A_56 : vector<1x1x16xf32> to vector<16xf32>
      %swap3A_58 = vector.shape_cast %broadcast_in_dim3A_8 : vector<16xf32> to vector<1x1x16xf32>
      tpu.vector_store %arg4[%swap3A_53, %swap3A_54, %swap3A_55], %swap3A_58 {strides = array<i32>} : memref<64x4x128xf32, #tpu.memory_space<vmem>>, vector<1x1x16xf32>,
      %swap3A_59 = arith.constant 0 : i32
      %swap3A_60 = arith.index_cast %scan3A_45 : i32 to index
      %swap3A_61 = arith.index_cast %swap3A_59 : i32 to index
      %swap3A_62 = arith.constant 32 : index
      %swap3A_63 = tpu.vector_load %arg4[%swap3A_60, %swap3A_61, %swap3A_62] {strides = array<i32>} : memref<64x4x128xf32, #tpu.memory_space<vmem>>, vector<1x1x16xf32>,
      %swap3A_64 = vector.shape_cast %swap3A_63 : vector<1x1x16xf32> to vector<16xf32>
      %swap3A_65 = vector.shape_cast %broadcast_in_dim3A_8 : vector<16xf32> to vector<1x1x16xf32>
      tpu.vector_store %arg4[%swap3A_60, %swap3A_61, %swap3A_62], %swap3A_65 {strides = array<i32>} : memref<64x4x128xf32, #tpu.memory_space<vmem>>, vector<1x1x16xf32>,
      %swap3A_66 = arith.constant 0 : i32
      %swap3A_67 = arith.index_cast %scan3A_45 : i32 to index
      %swap3A_68 = arith.index_cast %swap3A_66 : i32 to index
      %swap3A_69 = arith.constant 48 : index
      %swap3A_70 = tpu.vector_load %arg4[%swap3A_67, %swap3A_68, %swap3A_69] {strides = array<i32>} : memref<64x4x128xf32, #tpu.memory_space<vmem>>, vector<1x1x16xf32>,
      %swap3A_71 = vector.shape_cast %swap3A_70 : vector<1x1x16xf32> to vector<16xf32>
      %swap3A_72 = vector.shape_cast %broadcast_in_dim3A_8 : vector<16xf32> to vector<1x1x16xf32>
      tpu.vector_store %arg4[%swap3A_67, %swap3A_68, %swap3A_69], %swap3A_72 {strides = array<i32>} : memref<64x4x128xf32, #tpu.memory_space<vmem>>, vector<1x1x16xf32>,
      %swap3A_73 = arith.constant 0 : i32
      %swap3A_74 = arith.index_cast %scan3A_45 : i32 to index
      %swap3A_75 = arith.index_cast %swap3A_73 : i32 to index
      %swap3A_76 = arith.constant 64 : index
      %swap3A_77 = tpu.vector_load %arg4[%swap3A_74, %swap3A_75, %swap3A_76] {strides = array<i32>} : memref<64x4x128xf32, #tpu.memory_space<vmem>>, vector<1x1x16xf32>,
      %swap3A_78 = vector.shape_cast %swap3A_77 : vector<1x1x16xf32> to vector<16xf32>
      %swap3A_79 = vector.shape_cast %broadcast_in_dim3A_8 : vector<16xf32> to vector<1x1x16xf32>
      tpu.vector_store %arg4[%swap3A_74, %swap3A_75, %swap3A_76], %swap3A_79 {strides = array<i32>} : memref<64x4x128xf32, #tpu.memory_space<vmem>>, vector<1x1x16xf32>,
      %swap3A_80 = arith.constant 0 : i32
      %swap3A_81 = arith.index_cast %scan3A_45 : i32 to index
      %swap3A_82 = arith.index_cast %swap3A_80 : i32 to index
      %swap3A_83 = arith.constant 80 : index
      %swap3A_84 = tpu.vector_load %arg4[%swap3A_81, %swap3A_82, %swap3A_83] {strides = array<i32>} : memref<64x4x128xf32, #tpu.memory_space<vmem>>, vector<1x1x16xf32>,
      %swap3A_85 = vector.shape_cast %swap3A_84 : vector<1x1x16xf32> to vector<16xf32>
      %swap3A_86 = vector.shape_cast %broadcast_in_dim3A_8 : vector<16xf32> to vector<1x1x16xf32>
      tpu.vector_store %arg4[%swap3A_81, %swap3A_82, %swap3A_83], %swap3A_86 {strides = array<i32>} : memref<64x4x128xf32, #tpu.memory_space<vmem>>, vector<1x1x16xf32>,
      %swap3A_87 = arith.constant 0 : i32
      %swap3A_88 = arith.index_cast %scan3A_45 : i32 to index
      %swap3A_89 = arith.index_cast %swap3A_87 : i32 to index
      %swap3A_90 = arith.constant 96 : index
      %swap3A_91 = tpu.vector_load %arg4[%swap3A_88, %swap3A_89, %swap3A_90] {strides = array<i32>} : memref<64x4x128xf32, #tpu.memory_space<vmem>>, vector<1x1x16xf32>,
      %swap3A_92 = vector.shape_cast %swap3A_91 : vector<1x1x16xf32> to vector<16xf32>
      %swap3A_93 = vector.shape_cast %broadcast_in_dim3A_8 : vector<16xf32> to vector<1x1x16xf32>
      tpu.vector_store %arg4[%swap3A_88, %swap3A_89, %swap3A_90], %swap3A_93 {strides = array<i32>} : memref<64x4x128xf32, #tpu.memory_space<vmem>>, vector<1x1x16xf32>,
      %swap3A_94 = arith.constant 0 : i32
      %swap3A_95 = arith.index_cast %scan3A_45 : i32 to index
      %swap3A_96 = arith.index_cast %swap3A_94 : i32 to index
      %swap3A_97 = arith.constant 112 : index
      %swap3A_98 = tpu.vector_load %arg4[%swap3A_95, %swap3A_96, %swap3A_97] {strides = array<i32>} : memref<64x4x128xf32, #tpu.memory_space<vmem>>, vector<1x1x16xf32>,
      %swap3A_99 = vector.shape_cast %swap3A_98 : vector<1x1x16xf32> to vector<16xf32>
      %swap3A_100 = vector.shape_cast %broadcast_in_dim3A_8 : vector<16xf32> to vector<1x1x16xf32>
      tpu.vector_store %arg4[%swap3A_95, %swap3A_96, %swap3A_97], %swap3A_100 {strides = array<i32>} : memref<64x4x128xf32, #tpu.memory_space<vmem>>, vector<1x1x16xf32>,
      %swap3A_101 = arith.constant 1 : i32
      %swap3A_102 = arith.index_cast %scan3A_45 : i32 to index
      %swap3A_103 = arith.index_cast %swap3A_101 : i32 to index
      %swap3A_104 = arith.constant 0 : index
      %swap3A_105 = tpu.vector_load %arg4[%swap3A_102, %swap3A_103, %swap3A_104] {strides = array<i32>} : memref<64x4x128xf32, #tpu.memory_space<vmem>>, vector<1x1x16xf32>,
      %swap3A_106 = vector.shape_cast %swap3A_105 : vector<1x1x16xf32> to vector<16xf32>
      %swap3A_107 = vector.shape_cast %broadcast_in_dim3A_8 : vector<16xf32> to vector<1x1x16xf32>
      tpu.vector_store %arg4[%swap3A_102, %swap3A_103, %swap3A_104], %swap3A_107 {strides = array<i32>} : memref<64x4x128xf32, #tpu.memory_space<vmem>>, vector<1x1x16xf32>,
      %swap3A_108 = arith.constant 1 : i32
      %swap3A_109 = arith.index_cast %scan3A_45 : i32 to index
      %swap3A_110 = arith.index_cast %swap3A_108 : i32 to index
      %swap3A_111 = arith.constant 16 : index
      %swap3A_112 = tpu.vector_load %arg4[%swap3A_109, %swap3A_110, %swap3A_111] {strides = array<i32>} : memref<64x4x128xf32, #tpu.memory_space<vmem>>, vector<1x1x16xf32>,
      %swap3A_113 = vector.shape_cast %swap3A_112 : vector<1x1x16xf32> to vector<16xf32>
      %swap3A_114 = vector.shape_cast %broadcast_in_dim3A_8 : vector<16xf32> to vector<1x1x16xf32>
      tpu.vector_store %arg4[%swap3A_109, %swap3A_110, %swap3A_111], %swap3A_114 {strides = array<i32>} : memref<64x4x128xf32, #tpu.memory_space<vmem>>, vector<1x1x16xf32>,
      %swap3A_115 = arith.constant 1 : i32
      %swap3A_116 = arith.index_cast %scan3A_45 : i32 to index
      %swap3A_117 = arith.index_cast %swap3A_115 : i32 to index
      %swap3A_118 = arith.constant 32 : index
      %swap3A_119 = tpu.vector_load %arg4[%swap3A_116, %swap3A_117, %swap3A_118] {strides = array<i32>} : memref<64x4x128xf32, #tpu.memory_space<vmem>>, vector<1x1x16xf32>,
      %swap3A_120 = vector.shape_cast %swap3A_119 : vector<1x1x16xf32> to vector<16xf32>
      %swap3A_121 = vector.shape_cast %broadcast_in_dim3A_8 : vector<16xf32> to vector<1x1x16xf32>
      tpu.vector_store %arg4[%swap3A_116, %swap3A_117, %swap3A_118], %swap3A_121 {strides = array<i32>} : memref<64x4x128xf32, #tpu.memory_space<vmem>>, vector<1x1x16xf32>,
      %swap3A_122 = arith.constant 1 : i32
      %swap3A_123 = arith.index_cast %scan3A_45 : i32 to index
      %swap3A_124 = arith.index_cast %swap3A_122 : i32 to index
      %swap3A_125 = arith.constant 48 : index
      %swap3A_126 = tpu.vector_load %arg4[%swap3A_123, %swap3A_124, %swap3A_125] {strides = array<i32>} : memref<64x4x128xf32, #tpu.memory_space<vmem>>, vector<1x1x16xf32>,
      %swap3A_127 = vector.shape_cast %swap3A_126 : vector<1x1x16xf32> to vector<16xf32>
      %swap3A_128 = vector.shape_cast %broadcast_in_dim3A_8 : vector<16xf32> to vector<1x1x16xf32>
      tpu.vector_store %arg4[%swap3A_123, %swap3A_124, %swap3A_125], %swap3A_128 {strides = array<i32>} : memref<64x4x128xf32, #tpu.memory_space<vmem>>, vector<1x1x16xf32>,
      %swap3A_129 = arith.constant 1 : i32
      %swap3A_130 = arith.index_cast %scan3A_45 : i32 to index
      %swap3A_131 = arith.index_cast %swap3A_129 : i32 to index
      %swap3A_132 = arith.constant 64 : index
      %swap3A_133 = tpu.vector_load %arg4[%swap3A_130, %swap3A_131, %swap3A_132] {strides = array<i32>} : memref<64x4x128xf32, #tpu.memory_space<vmem>>, vector<1x1x16xf32>,
      %swap3A_134 = vector.shape_cast %swap3A_133 : vector<1x1x16xf32> to vector<16xf32>
      %swap3A_135 = vector.shape_cast %broadcast_in_dim3A_8 : vector<16xf32> to vector<1x1x16xf32>
      tpu.vector_store %arg4[%swap3A_130, %swap3A_131, %swap3A_132], %swap3A_135 {strides = array<i32>} : memref<64x4x128xf32, #tpu.memory_space<vmem>>, vector<1x1x16xf32>,
      %swap3A_136 = arith.constant 1 : i32
      %swap3A_137 = arith.index_cast %scan3A_45 : i32 to index
      %swap3A_138 = arith.index_cast %swap3A_136 : i32 to index
      %swap3A_139 = arith.constant 80 : index
      %swap3A_140 = tpu.vector_load %arg4[%swap3A_137, %swap3A_138, %swap3A_139] {strides = array<i32>} : memref<64x4x128xf32, #tpu.memory_space<vmem>>, vector<1x1x16xf32>,
      %swap3A_141 = vector.shape_cast %swap3A_140 : vector<1x1x16xf32> to vector<16xf32>
      %swap3A_142 = vector.shape_cast %broadcast_in_dim3A_8 : vector<16xf32> to vector<1x1x16xf32>
      tpu.vector_store %arg4[%swap3A_137, %swap3A_138, %swap3A_139], %swap3A_142 {strides = array<i32>} : memref<64x4x128xf32, #tpu.memory_space<vmem>>, vector<1x1x16xf32>,
      %swap3A_143 = arith.constant 1 : i32
      %swap3A_144 = arith.index_cast %scan3A_45 : i32 to index
      %swap3A_145 = arith.index_cast %swap3A_143 : i32 to index
      %swap3A_146 = arith.constant 96 : index
      %swap3A_147 = tpu.vector_load %arg4[%swap3A_144, %swap3A_145, %swap3A_146] {strides = array<i32>} : memref<64x4x128xf32, #tpu.memory_space<vmem>>, vector<1x1x16xf32>,
      %swap3A_148 = vector.shape_cast %swap3A_147 : vector<1x1x16xf32> to vector<16xf32>
      %swap3A_149 = vector.shape_cast %broadcast_in_dim3A_8 : vector<16xf32> to vector<1x1x16xf32>
      tpu.vector_store %arg4[%swap3A_144, %swap3A_145, %swap3A_146], %swap3A_149 {strides = array<i32>} : memref<64x4x128xf32, #tpu.memory_space<vmem>>, vector<1x1x16xf32>,
      %swap3A_150 = arith.constant 1 : i32
      %swap3A_151 = arith.index_cast %scan3A_45 : i32 to index
      %swap3A_152 = arith.index_cast %swap3A_150 : i32 to index
      %swap3A_153 = arith.constant 112 : index
      %swap3A_154 = tpu.vector_load %arg4[%swap3A_151, %swap3A_152, %swap3A_153] {strides = array<i32>} : memref<64x4x128xf32, #tpu.memory_space<vmem>>, vector<1x1x16xf32>,
      %swap3A_155 = vector.shape_cast %swap3A_154 : vector<1x1x16xf32> to vector<16xf32>
      %swap3A_156 = vector.shape_cast %broadcast_in_dim3A_8 : vector<16xf32> to vector<1x1x16xf32>
      tpu.vector_store %arg4[%swap3A_151, %swap3A_152, %swap3A_153], %swap3A_156 {strides = array<i32>} : memref<64x4x128xf32, #tpu.memory_space<vmem>>, vector<1x1x16xf32>,
      %swap3A_157 = arith.constant 2 : i32
      %swap3A_158 = arith.index_cast %scan3A_45 : i32 to index
      %swap3A_159 = arith.index_cast %swap3A_157 : i32 to index
      %swap3A_160 = arith.constant 0 : index
      %swap3A_161 = tpu.vector_load %arg4[%swap3A_158, %swap3A_159, %swap3A_160] {strides = array<i32>} : memref<64x4x128xf32, #tpu.memory_space<vmem>>, vector<1x1x16xf32>,
      %swap3A_162 = vector.shape_cast %swap3A_161 : vector<1x1x16xf32> to vector<16xf32>
      %swap3A_163 = vector.shape_cast %broadcast_in_dim3A_8 : vector<16xf32> to vector<1x1x16xf32>
      tpu.vector_store %arg4[%swap3A_158, %swap3A_159, %swap3A_160], %swap3A_163 {strides = array<i32>} : memref<64x4x128xf32, #tpu.memory_space<vmem>>, vector<1x1x16xf32>,
      %swap3A_164 = arith.constant 2 : i32
      %swap3A_165 = arith.index_cast %scan3A_45 : i32 to index
      %swap3A_166 = arith.index_cast %swap3A_164 : i32 to index
      %swap3A_167 = arith.constant 16 : index
      %swap3A_168 = tpu.vector_load %arg4[%swap3A_165, %swap3A_166, %swap3A_167] {strides = array<i32>} : memref<64x4x128xf32, #tpu.memory_space<vmem>>, vector<1x1x16xf32>,
      %swap3A_169 = vector.shape_cast %swap3A_168 : vector<1x1x16xf32> to vector<16xf32>
      %swap3A_170 = vector.shape_cast %broadcast_in_dim3A_8 : vector<16xf32> to vector<1x1x16xf32>
      tpu.vector_store %arg4[%swap3A_165, %swap3A_166, %swap3A_167], %swap3A_170 {strides = array<i32>} : memref<64x4x128xf32, #tpu.memory_space<vmem>>, vector<1x1x16xf32>,
      %swap3A_171 = arith.constant 2 : i32
      %swap3A_172 = arith.index_cast %scan3A_45 : i32 to index
      %swap3A_173 = arith.index_cast %swap3A_171 : i32 to index
      %swap3A_174 = arith.constant 32 : index
      %swap3A_175 = tpu.vector_load %arg4[%swap3A_172, %swap3A_173, %swap3A_174] {strides = array<i32>} : memref<64x4x128xf32, #tpu.memory_space<vmem>>, vector<1x1x16xf32>,
      %swap3A_176 = vector.shape_cast %swap3A_175 : vector<1x1x16xf32> to vector<16xf32>
      %swap3A_177 = vector.shape_cast %broadcast_in_dim3A_8 : vector<16xf32> to vector<1x1x16xf32>
      tpu.vector_store %arg4[%swap3A_172, %swap3A_173, %swap3A_174], %swap3A_177 {strides = array<i32>} : memref<64x4x128xf32, #tpu.memory_space<vmem>>, vector<1x1x16xf32>,
      %swap3A_178 = arith.constant 2 : i32
      %swap3A_179 = arith.index_cast %scan3A_45 : i32 to index
      %swap3A_180 = arith.index_cast %swap3A_178 : i32 to index
      %swap3A_181 = arith.constant 48 : index
      %swap3A_182 = tpu.vector_load %arg4[%swap3A_179, %swap3A_180, %swap3A_181] {strides = array<i32>} : memref<64x4x128xf32, #tpu.memory_space<vmem>>, vector<1x1x16xf32>,
      %swap3A_183 = vector.shape_cast %swap3A_182 : vector<1x1x16xf32> to vector<16xf32>
      %swap3A_184 = vector.shape_cast %broadcast_in_dim3A_8 : vector<16xf32> to vector<1x1x16xf32>
      tpu.vector_store %arg4[%swap3A_179, %swap3A_180, %swap3A_181], %swap3A_184 {strides = array<i32>} : memref<64x4x128xf32, #tpu.memory_space<vmem>>, vector<1x1x16xf32>,
      %swap3A_185 = arith.constant 2 : i32
      %swap3A_186 = arith.index_cast %scan3A_45 : i32 to index
      %swap3A_187 = arith.index_cast %swap3A_185 : i32 to index
      %swap3A_188 = arith.constant 64 : index
      %swap3A_189 = tpu.vector_load %arg4[%swap3A_186, %swap3A_187, %swap3A_188] {strides = array<i32>} : memref<64x4x128xf32, #tpu.memory_space<vmem>>, vector<1x1x16xf32>,
      %swap3A_190 = vector.shape_cast %swap3A_189 : vector<1x1x16xf32> to vector<16xf32>
      %swap3A_191 = vector.shape_cast %broadcast_in_dim3A_8 : vector<16xf32> to vector<1x1x16xf32>
      tpu.vector_store %arg4[%swap3A_186, %swap3A_187, %swap3A_188], %swap3A_191 {strides = array<i32>} : memref<64x4x128xf32, #tpu.memory_space<vmem>>, vector<1x1x16xf32>,
      %swap3A_192 = arith.constant 2 : i32
      %swap3A_193 = arith.index_cast %scan3A_45 : i32 to index
      %swap3A_194 = arith.index_cast %swap3A_192 : i32 to index
      %swap3A_195 = arith.constant 80 : index
      %swap3A_196 = tpu.vector_load %arg4[%swap3A_193, %swap3A_194, %swap3A_195] {strides = array<i32>} : memref<64x4x128xf32, #tpu.memory_space<vmem>>, vector<1x1x16xf32>,
      %swap3A_197 = vector.shape_cast %swap3A_196 : vector<1x1x16xf32> to vector<16xf32>
      %swap3A_198 = vector.shape_cast %broadcast_in_dim3A_8 : vector<16xf32> to vector<1x1x16xf32>
      tpu.vector_store %arg4[%swap3A_193, %swap3A_194, %swap3A_195], %swap3A_198 {strides = array<i32>} : memref<64x4x128xf32, #tpu.memory_space<vmem>>, vector<1x1x16xf32>,
      %swap3A_199 = arith.constant 2 : i32
      %swap3A_200 = arith.index_cast %scan3A_45 : i32 to index
      %swap3A_201 = arith.index_cast %swap3A_199 : i32 to index
      %swap3A_202 = arith.constant 96 : index
      %swap3A_203 = tpu.vector_load %arg4[%swap3A_200, %swap3A_201, %swap3A_202] {strides = array<i32>} : memref<64x4x128xf32, #tpu.memory_space<vmem>>, vector<1x1x16xf32>,
      %swap3A_204 = vector.shape_cast %swap3A_203 : vector<1x1x16xf32> to vector<16xf32>
      %swap3A_205 = vector.shape_cast %broadcast_in_dim3A_8 : vector<16xf32> to vector<1x1x16xf32>
      tpu.vector_store %arg4[%swap3A_200, %swap3A_201, %swap3A_202], %swap3A_205 {strides = array<i32>} : memref<64x4x128xf32, #tpu.memory_space<vmem>>, vector<1x1x16xf32>,
      %swap3A_206 = arith.constant 2 : i32
      %swap3A_207 = arith.index_cast %scan3A_45 : i32 to index
      %swap3A_208 = arith.index_cast %swap3A_206 : i32 to index
      %swap3A_209 = arith.constant 112 : index
      %swap3A_210 = tpu.vector_load %arg4[%swap3A_207, %swap3A_208, %swap3A_209] {strides = array<i32>} : memref<64x4x128xf32, #tpu.memory_space<vmem>>, vector<1x1x16xf32>,
      %swap3A_211 = vector.shape_cast %swap3A_210 : vector<1x1x16xf32> to vector<16xf32>
      %swap3A_212 = vector.shape_cast %broadcast_in_dim3A_8 : vector<16xf32> to vector<1x1x16xf32>
      tpu.vector_store %arg4[%swap3A_207, %swap3A_208, %swap3A_209], %swap3A_212 {strides = array<i32>} : memref<64x4x128xf32, #tpu.memory_space<vmem>>, vector<1x1x16xf32>,
      %swap3A_213 = arith.constant 3 : i32
      %swap3A_214 = arith.index_cast %scan3A_45 : i32 to index
      %swap3A_215 = arith.index_cast %swap3A_213 : i32 to index
      %swap3A_216 = arith.constant 0 : index
      %swap3A_217 = tpu.vector_load %arg4[%swap3A_214, %swap3A_215, %swap3A_216] {strides = array<i32>} : memref<64x4x128xf32, #tpu.memory_space<vmem>>, vector<1x1x16xf32>,
      %swap3A_218 = vector.shape_cast %swap3A_217 : vector<1x1x16xf32> to vector<16xf32>
      %swap3A_219 = vector.shape_cast %broadcast_in_dim3A_8 : vector<16xf32> to vector<1x1x16xf32>
      tpu.vector_store %arg4[%swap3A_214, %swap3A_215, %swap3A_216], %swap3A_219 {strides = array<i32>} : memref<64x4x128xf32, #tpu.memory_space<vmem>>, vector<1x1x16xf32>,
      %swap3A_220 = arith.constant 3 : i32
      %swap3A_221 = arith.index_cast %scan3A_45 : i32 to index
      %swap3A_222 = arith.index_cast %swap3A_220 : i32 to index
      %swap3A_223 = arith.constant 16 : index
      %swap3A_224 = tpu.vector_load %arg4[%swap3A_221, %swap3A_222, %swap3A_223] {strides = array<i32>} : memref<64x4x128xf32, #tpu.memory_space<vmem>>, vector<1x1x16xf32>,
      %swap3A_225 = vector.shape_cast %swap3A_224 : vector<1x1x16xf32> to vector<16xf32>
      %swap3A_226 = vector.shape_cast %broadcast_in_dim3A_8 : vector<16xf32> to vector<1x1x16xf32>
      tpu.vector_store %arg4[%swap3A_221, %swap3A_222, %swap3A_223], %swap3A_226 {strides = array<i32>} : memref<64x4x128xf32, #tpu.memory_space<vmem>>, vector<1x1x16xf32>,
      %swap3A_227 = arith.constant 3 : i32
      %swap3A_228 = arith.index_cast %scan3A_45 : i32 to index
      %swap3A_229 = arith.index_cast %swap3A_227 : i32 to index
      %swap3A_230 = arith.constant 32 : index
      %swap3A_231 = tpu.vector_load %arg4[%swap3A_228, %swap3A_229, %swap3A_230] {strides = array<i32>} : memref<64x4x128xf32, #tpu.memory_space<vmem>>, vector<1x1x16xf32>,
      %swap3A_232 = vector.shape_cast %swap3A_231 : vector<1x1x16xf32> to vector<16xf32>
      %swap3A_233 = vector.shape_cast %broadcast_in_dim3A_8 : vector<16xf32> to vector<1x1x16xf32>
      tpu.vector_store %arg4[%swap3A_228, %swap3A_229, %swap3A_230], %swap3A_233 {strides = array<i32>} : memref<64x4x128xf32, #tpu.memory_space<vmem>>, vector<1x1x16xf32>,
      %swap3A_234 = arith.constant 3 : i32
      %swap3A_235 = arith.index_cast %scan3A_45 : i32 to index
      %swap3A_236 = arith.index_cast %swap3A_234 : i32 to index
      %swap3A_237 = arith.constant 48 : index
      %swap3A_238 = tpu.vector_load %arg4[%swap3A_235, %swap3A_236, %swap3A_237] {strides = array<i32>} : memref<64x4x128xf32, #tpu.memory_space<vmem>>, vector<1x1x16xf32>,
      %swap3A_239 = vector.shape_cast %swap3A_238 : vector<1x1x16xf32> to vector<16xf32>
      %swap3A_240 = vector.shape_cast %broadcast_in_dim3A_8 : vector<16xf32> to vector<1x1x16xf32>
      tpu.vector_store %arg4[%swap3A_235, %swap3A_236, %swap3A_237], %swap3A_240 {strides = array<i32>} : memref<64x4x128xf32, #tpu.memory_space<vmem>>, vector<1x1x16xf32>,
      %swap3A_241 = arith.constant 3 : i32
      %swap3A_242 = arith.index_cast %scan3A_45 : i32 to index
      %swap3A_243 = arith.index_cast %swap3A_241 : i32 to index
      %swap3A_244 = arith.constant 64 : index
      %swap3A_245 = tpu.vector_load %arg4[%swap3A_242, %swap3A_243, %swap3A_244] {strides = array<i32>} : memref<64x4x128xf32, #tpu.memory_space<vmem>>, vector<1x1x16xf32>,
      %swap3A_246 = vector.shape_cast %swap3A_245 : vector<1x1x16xf32> to vector<16xf32>
      %swap3A_247 = vector.shape_cast %broadcast_in_dim3A_8 : vector<16xf32> to vector<1x1x16xf32>
      tpu.vector_store %arg4[%swap3A_242, %swap3A_243, %swap3A_244], %swap3A_247 {strides = array<i32>} : memref<64x4x128xf32, #tpu.memory_space<vmem>>, vector<1x1x16xf32>,
      %swap3A_248 = arith.constant 3 : i32
      %swap3A_249 = arith.index_cast %scan3A_45 : i32 to index
      %swap3A_250 = arith.index_cast %swap3A_248 : i32 to index
      %swap3A_251 = arith.constant 80 : index
      %swap3A_252 = tpu.vector_load %arg4[%swap3A_249, %swap3A_250, %swap3A_251] {strides = array<i32>} : memref<64x4x128xf32, #tpu.memory_space<vmem>>, vector<1x1x16xf32>,
      %swap3A_253 = vector.shape_cast %swap3A_252 : vector<1x1x16xf32> to vector<16xf32>
      %swap3A_254 = vector.shape_cast %broadcast_in_dim3A_8 : vector<16xf32> to vector<1x1x16xf32>
      tpu.vector_store %arg4[%swap3A_249, %swap3A_250, %swap3A_251], %swap3A_254 {strides = array<i32>} : memref<64x4x128xf32, #tpu.memory_space<vmem>>, vector<1x1x16xf32>,
      %swap3A_255 = arith.constant 3 : i32
      %swap3A_256 = arith.index_cast %scan3A_45 : i32 to index
      %swap3A_257 = arith.index_cast %swap3A_255 : i32 to index
      %swap3A_258 = arith.constant 96 : index
      %swap3A_259 = tpu.vector_load %arg4[%swap3A_256, %swap3A_257, %swap3A_258] {strides = array<i32>} : memref<64x4x128xf32, #tpu.memory_space<vmem>>, vector<1x1x16xf32>,
      %swap3A_260 = vector.shape_cast %swap3A_259 : vector<1x1x16xf32> to vector<16xf32>
      %swap3A_261 = vector.shape_cast %broadcast_in_dim3A_8 : vector<16xf32> to vector<1x1x16xf32>
      tpu.vector_store %arg4[%swap3A_256, %swap3A_257, %swap3A_258], %swap3A_261 {strides = array<i32>} : memref<64x4x128xf32, #tpu.memory_space<vmem>>, vector<1x1x16xf32>,
      %swap3A_262 = arith.constant 3 : i32
      %swap3A_263 = arith.index_cast %scan3A_45 : i32 to index
      %swap3A_264 = arith.index_cast %swap3A_262 : i32 to index
      %swap3A_265 = arith.constant 112 : index
      %swap3A_266 = tpu.vector_load %arg4[%swap3A_263, %swap3A_264, %swap3A_265] {strides = array<i32>} : memref<64x4x128xf32, #tpu.memory_space<vmem>>, vector<1x1x16xf32>,
      %swap3A_267 = vector.shape_cast %swap3A_266 : vector<1x1x16xf32> to vector<16xf32>
      %swap3A_268 = vector.shape_cast %broadcast_in_dim3A_8 : vector<16xf32> to vector<1x1x16xf32>
      tpu.vector_store %arg4[%swap3A_263, %swap3A_264, %swap3A_265], %swap3A_268 {strides = array<i32>} : memref<64x4x128xf32, #tpu.memory_space<vmem>>, vector<1x1x16xf32>,
    }
    %scan3A_13 = arith.constant 64 : i32
    %while3A = arith.constant 0 : i32
    %while3A_14 = arith.constant 0 : i32
    %while3A_15 = arith.subi %shift_right_arithmetic3A_1, %while3A_14 : i32
    %while3A_16 = arith.addi %while3A_14, %while3A_15 : i32
    %while3A_17 = arith.constant 1 : i32
    %while3A_18 = arith.divsi %while3A_15, %while3A_17 : i32
    %while3A_19 = arith.muli %while3A_18, %while3A_17 : i32
    %while3A_20 = arith.addi %while3A_14, %while3A_19 : i32
    %while3A_21 = arith.constant 1 : i32
    scf.for %while3A_45 = %while3A_14 to %while3A_20 step %while3A_21  : i32 {
      %mul3A_46 = arith.constant 4 : i32
      %mul3A_47 = arith.muli %mul3A_46, %while3A_45 : i32
      "tpu.region"() ({
        %run_scoped3A = tpu.sem_alloc : memref<!tpu.dma_semaphore, #tpu.memory_space<semaphore_mem>>
        %dma_start3A = arith.constant 0 : i32
        %dma_start3A_48 = tpu.memref_slice %arg3[%add3A_7, %mul3A_47, %dma_start3A] : memref<2048x64x128xf32, #tpu.memory_space<hbm>> -> memref<64x4x128xf32, #tpu.memory_space<hbm>>
        %dma_start3A_49 = arith.constant 0 : i32
        %dma_start3A_50 = tpu.memref_slice %arg3[%add3A_7, %mul3A_47, %dma_start3A_49] : memref<2048x64x128xf32, #tpu.memory_space<hbm>> -> memref<64x4x128xf32, #tpu.memory_space<hbm>>
        tpu.enqueue_dma source(%arg4 : memref<64x4x128xf32, #tpu.memory_space<vmem>>) target(%dma_start3A_50 : memref<64x4x128xf32, #tpu.memory_space<hbm>>) target_semaphore(%run_scoped3A : memref<!tpu.dma_semaphore, #tpu.memory_space<semaphore_mem>>)
        %dma_wait3A = arith.constant 0 : i32
        %dma_wait3A_51 = tpu.memref_slice %arg3[%add3A_7, %mul3A_47, %dma_wait3A] : memref<2048x64x128xf32, #tpu.memory_space<hbm>> -> memref<64x4x128xf32, #tpu.memory_space<hbm>>
        %dma_wait3A_52 = arith.constant 0 : i32
        %dma_wait3A_53 = tpu.memref_slice %arg3[%add3A_7, %mul3A_47, %dma_wait3A_52] : memref<2048x64x128xf32, #tpu.memory_space<hbm>> -> memref<64x4x128xf32, #tpu.memory_space<hbm>>
        tpu.wait_dma2 semaphore(%run_scoped3A : memref<!tpu.dma_semaphore, #tpu.memory_space<semaphore_mem>>) src(%arg4 : memref<64x4x128xf32, #tpu.memory_space<vmem>>) dst(%dma_wait3A_53 : memref<64x4x128xf32, #tpu.memory_space<hbm>>)
        tpu.yield
      }) : () -> ()
    }
    %while3A_22 = arith.constant 1 : i32
    scf.for %while3A_45 = %while3A_20 to %while3A_16 step %while3A_22  : i32 {
      %mul3A_46 = arith.constant 4 : i32
      %mul3A_47 = arith.muli %mul3A_46, %while3A_45 : i32
      "tpu.region"() ({
        %run_scoped3A = tpu.sem_alloc : memref<!tpu.dma_semaphore, #tpu.memory_space<semaphore_mem>>
        %dma_start3A = arith.constant 0 : i32
        %dma_start3A_48 = tpu.memref_slice %arg3[%add3A_7, %mul3A_47, %dma_start3A] : memref<2048x64x128xf32, #tpu.memory_space<hbm>> -> memref<64x4x128xf32, #tpu.memory_space<hbm>>
        %dma_start3A_49 = arith.constant 0 : i32
        %dma_start3A_50 = tpu.memref_slice %arg3[%add3A_7, %mul3A_47, %dma_start3A_49] : memref<2048x64x128xf32, #tpu.memory_space<hbm>> -> memref<64x4x128xf32, #tpu.memory_space<hbm>>
        tpu.enqueue_dma source(%arg4 : memref<64x4x128xf32, #tpu.memory_space<vmem>>) target(%dma_start3A_50 : memref<64x4x128xf32, #tpu.memory_space<hbm>>) target_semaphore(%run_scoped3A : memref<!tpu.dma_semaphore, #tpu.memory_space<semaphore_mem>>)
        %dma_wait3A = arith.constant 0 : i32
        %dma_wait3A_51 = tpu.memref_slice %arg3[%add3A_7, %mul3A_47, %dma_wait3A] : memref<2048x64x128xf32, #tpu.memory_space<hbm>> -> memref<64x4x128xf32, #tpu.memory_space<hbm>>
        %dma_wait3A_52 = arith.constant 0 : i32
        %dma_wait3A_53 = tpu.memref_slice %arg3[%add3A_7, %mul3A_47, %dma_wait3A_52] : memref<2048x64x128xf32, #tpu.memory_space<hbm>> -> memref<64x4x128xf32, #tpu.memory_space<hbm>>
        tpu.wait_dma2 semaphore(%run_scoped3A : memref<!tpu.dma_semaphore, #tpu.memory_space<semaphore_mem>>) src(%arg4 : memref<64x4x128xf32, #tpu.memory_space<vmem>>) dst(%dma_wait3A_53 : memref<64x4x128xf32, #tpu.memory_space<hbm>>)
        tpu.yield
      }) : () -> ()
    }
    %add3A_23 = arith.constant 1 : i32
    %add3A_24 = arith.addi %shift_right_arithmetic3A_1, %add3A_23 : i32
    %while3A_25 = arith.constant 0 : i32
    %while3A_26 = arith.constant 16 : i32
    %while3A_27 = arith.subi %while3A_26, %add3A_24 : i32
    %while3A_28 = arith.addi %add3A_24, %while3A_27 : i32
    %while3A_29 = arith.constant 1 : i32
    %while3A_30 = arith.divsi %while3A_27, %while3A_29 : i32
    %while3A_31 = arith.muli %while3A_30, %while3A_29 : i32
    %while3A_32 = arith.addi %add3A_24, %while3A_31 : i32
    %while3A_33 = arith.constant 1 : i32
    scf.for %while3A_45 = %add3A_24 to %while3A_32 step %while3A_33  : i32 {
      %mul3A_46 = arith.constant 4 : i32
      %mul3A_47 = arith.muli %mul3A_46, %while3A_45 : i32
      %mul3A_48 = arith.constant 4 : i32
      %mul3A_49 = arith.muli %mul3A_48, %while3A_45 : i32
      "tpu.region"() ({
        %run_scoped3A = tpu.sem_alloc : memref<!tpu.dma_semaphore, #tpu.memory_space<semaphore_mem>>
        %dma_start3A = arith.constant 0 : i32
        %dma_start3A_50 = tpu.memref_slice %arg2[%add3A_7, %mul3A_47, %dma_start3A] : memref<2048x64x128xf32, #tpu.memory_space<hbm>> -> memref<64x4x128xf32, #tpu.memory_space<hbm>>
        %dma_start3A_51 = arith.constant 0 : i32
        %dma_start3A_52 = tpu.memref_slice %arg2[%add3A_7, %mul3A_47, %dma_start3A_51] : memref<2048x64x128xf32, #tpu.memory_space<hbm>> -> memref<64x4x128xf32, #tpu.memory_space<hbm>>
        tpu.enqueue_dma source(%dma_start3A_52 : memref<64x4x128xf32, #tpu.memory_space<hbm>>) target(%arg5 : memref<64x4x128xf32, #tpu.memory_space<vmem>>) target_semaphore(%run_scoped3A : memref<!tpu.dma_semaphore, #tpu.memory_space<semaphore_mem>>)
        %dma_wait3A = arith.constant 0 : i32
        %dma_wait3A_53 = tpu.memref_slice %arg2[%add3A_7, %mul3A_47, %dma_wait3A] : memref<2048x64x128xf32, #tpu.memory_space<hbm>> -> memref<64x4x128xf32, #tpu.memory_space<hbm>>
        %dma_wait3A_54 = arith.constant 0 : i32
        %dma_wait3A_55 = tpu.memref_slice %arg2[%add3A_7, %mul3A_47, %dma_wait3A_54] : memref<2048x64x128xf32, #tpu.memory_space<hbm>> -> memref<64x4x128xf32, #tpu.memory_space<hbm>>
        tpu.wait_dma2 semaphore(%run_scoped3A : memref<!tpu.dma_semaphore, #tpu.memory_space<semaphore_mem>>) src(%dma_wait3A_55 : memref<64x4x128xf32, #tpu.memory_space<hbm>>) dst(%arg5 : memref<64x4x128xf32, #tpu.memory_space<vmem>>)
        tpu.yield
      }) : () -> ()
      "tpu.region"() ({
        %run_scoped3A = tpu.sem_alloc : memref<!tpu.dma_semaphore, #tpu.memory_space<semaphore_mem>>
        %dma_start3A = arith.constant 0 : i32
        %dma_start3A_50 = tpu.memref_slice %arg3[%add3A_7, %mul3A_49, %dma_start3A] : memref<2048x64x128xf32, #tpu.memory_space<hbm>> -> memref<64x4x128xf32, #tpu.memory_space<hbm>>
        %dma_start3A_51 = arith.constant 0 : i32
        %dma_start3A_52 = tpu.memref_slice %arg3[%add3A_7, %mul3A_49, %dma_start3A_51] : memref<2048x64x128xf32, #tpu.memory_space<hbm>> -> memref<64x4x128xf32, #tpu.memory_space<hbm>>
        tpu.enqueue_dma source(%arg5 : memref<64x4x128xf32, #tpu.memory_space<vmem>>) target(%dma_start3A_52 : memref<64x4x128xf32, #tpu.memory_space<hbm>>) target_semaphore(%run_scoped3A : memref<!tpu.dma_semaphore, #tpu.memory_space<semaphore_mem>>)
        %dma_wait3A = arith.constant 0 : i32
        %dma_wait3A_53 = tpu.memref_slice %arg3[%add3A_7, %mul3A_49, %dma_wait3A] : memref<2048x64x128xf32, #tpu.memory_space<hbm>> -> memref<64x4x128xf32, #tpu.memory_space<hbm>>
        %dma_wait3A_54 = arith.constant 0 : i32
        %dma_wait3A_55 = tpu.memref_slice %arg3[%add3A_7, %mul3A_49, %dma_wait3A_54] : memref<2048x64x128xf32, #tpu.memory_space<hbm>> -> memref<64x4x128xf32, #tpu.memory_space<hbm>>
        tpu.wait_dma2 semaphore(%run_scoped3A : memref<!tpu.dma_semaphore, #tpu.memory_space<semaphore_mem>>) src(%arg5 : memref<64x4x128xf32, #tpu.memory_space<vmem>>) dst(%dma_wait3A_55 : memref<64x4x128xf32, #tpu.memory_space<hbm>>)
        tpu.yield
      }) : () -> ()
    }
    %while3A_34 = arith.constant 1 : i32
    scf.for %while3A_45 = %while3A_32 to %while3A_28 step %while3A_34  : i32 {
      %mul3A_46 = arith.constant 4 : i32
      %mul3A_47 = arith.muli %mul3A_46, %while3A_45 : i32
      %mul3A_48 = arith.constant 4 : i32
      %mul3A_49 = arith.muli %mul3A_48, %while3A_45 : i32
      "tpu.region"() ({
        %run_scoped3A = tpu.sem_alloc : memref<!tpu.dma_semaphore, #tpu.memory_space<semaphore_mem>>
        %dma_start3A = arith.constant 0 : i32
        %dma_start3A_50 = tpu.memref_slice %arg2[%add3A_7, %mul3A_47, %dma_start3A] : memref<2048x64x128xf32, #tpu.memory_space<hbm>> -> memref<64x4x128xf32, #tpu.memory_space<hbm>>
        %dma_start3A_51 = arith.constant 0 : i32
        %dma_start3A_52 = tpu.memref_slice %arg2[%add3A_7, %mul3A_47, %dma_start3A_51] : memref<2048x64x128xf32, #tpu.memory_space<hbm>> -> memref<64x4x128xf32, #tpu.memory_space<hbm>>
        tpu.enqueue_dma source(%dma_start3A_52 : memref<64x4x128xf32, #tpu.memory_space<hbm>>) target(%arg5 : memref<64x4x128xf32, #tpu.memory_space<vmem>>) target_semaphore(%run_scoped3A : memref<!tpu.dma_semaphore, #tpu.memory_space<semaphore_mem>>)
        %dma_wait3A = arith.constant 0 : i32
        %dma_wait3A_53 = tpu.memref_slice %arg2[%add3A_7, %mul3A_47, %dma_wait3A] : memref<2048x64x128xf32, #tpu.memory_space<hbm>> -> memref<64x4x128xf32, #tpu.memory_space<hbm>>
        %dma_wait3A_54 = arith.constant 0 : i32
        %dma_wait3A_55 = tpu.memref_slice %arg2[%add3A_7, %mul3A_47, %dma_wait3A_54] : memref<2048x64x128xf32, #tpu.memory_space<hbm>> -> memref<64x4x128xf32, #tpu.memory_space<hbm>>
        tpu.wait_dma2 semaphore(%run_scoped3A : memref<!tpu.dma_semaphore, #tpu.memory_space<semaphore_mem>>) src(%dma_wait3A_55 : memref<64x4x128xf32, #tpu.memory_space<hbm>>) dst(%arg5 : memref<64x4x128xf32, #tpu.memory_space<vmem>>)
        tpu.yield
      }) : () -> ()
      "tpu.region"() ({
        %run_scoped3A = tpu.sem_alloc : memref<!tpu.dma_semaphore, #tpu.memory_space<semaphore_mem>>
        %dma_start3A = arith.constant 0 : i32
        %dma_start3A_50 = tpu.memref_slice %arg3[%add3A_7, %mul3A_49, %dma_start3A] : memref<2048x64x128xf32, #tpu.memory_space<hbm>> -> memref<64x4x128xf32, #tpu.memory_space<hbm>>
        %dma_start3A_51 = arith.constant 0 : i32
        %dma_start3A_52 = tpu.memref_slice %arg3[%add3A_7, %mul3A_49, %dma_start3A_51] : memref<2048x64x128xf32, #tpu.memory_space<hbm>> -> memref<64x4x128xf32, #tpu.memory_space<hbm>>
        tpu.enqueue_dma source(%arg5 : memref<64x4x128xf32, #tpu.memory_space<vmem>>) target(%dma_start3A_52 : memref<64x4x128xf32, #tpu.memory_space<hbm>>) target_semaphore(%run_scoped3A : memref<!tpu.dma_semaphore, #tpu.memory_space<semaphore_mem>>)
        %dma_wait3A = arith.constant 0 : i32
        %dma_wait3A_53 = tpu.memref_slice %arg3[%add3A_7, %mul3A_49, %dma_wait3A] : memref<2048x64x128xf32, #tpu.memory_space<hbm>> -> memref<64x4x128xf32, #tpu.memory_space<hbm>>
        %dma_wait3A_54 = arith.constant 0 : i32
        %dma_wait3A_55 = tpu.memref_slice %arg3[%add3A_7, %mul3A_49, %dma_wait3A_54] : memref<2048x64x128xf32, #tpu.memory_space<hbm>> -> memref<64x4x128xf32, #tpu.memory_space<hbm>>
        tpu.wait_dma2 semaphore(%run_scoped3A : memref<!tpu.dma_semaphore, #tpu.memory_space<semaphore_mem>>) src(%arg5 : memref<64x4x128xf32, #tpu.memory_space<vmem>>) dst(%dma_wait3A_55 : memref<64x4x128xf32, #tpu.memory_space<hbm>>)
        tpu.yield
      }) : () -> ()
    }
    %mul3A_35 = arith.constant 4 : i32
    %mul3A_36 = arith.muli %mul3A_35, %shift_right_arithmetic3A_1 : i32
    "tpu.region"() ({
      %run_scoped3A = tpu.sem_alloc : memref<!tpu.dma_semaphore, #tpu.memory_space<semaphore_mem>>
      %dma_start3A = arith.constant 0 : i32
      %dma_start3A_45 = tpu.memref_slice %arg2[%add3A_7, %mul3A_36, %dma_start3A] : memref<2048x64x128xf32, #tpu.memory_space<hbm>> -> memref<64x4x128xf32, #tpu.memory_space<hbm>>
      %dma_start3A_46 = arith.constant 0 : i32
      %dma_start3A_47 = tpu.memref_slice %arg2[%add3A_7, %mul3A_36, %dma_start3A_46] : memref<2048x64x128xf32, #tpu.memory_space<hbm>> -> memref<64x4x128xf32, #tpu.memory_space<hbm>>
      tpu.enqueue_dma source(%dma_start3A_47 : memref<64x4x128xf32, #tpu.memory_space<hbm>>) target(%arg6 : memref<64x4x128xf32, #tpu.memory_space<vmem>>) target_semaphore(%run_scoped3A : memref<!tpu.dma_semaphore, #tpu.memory_space<semaphore_mem>>)
      %dma_wait3A = arith.constant 0 : i32
      %dma_wait3A_48 = tpu.memref_slice %arg2[%add3A_7, %mul3A_36, %dma_wait3A] : memref<2048x64x128xf32, #tpu.memory_space<hbm>> -> memref<64x4x128xf32, #tpu.memory_space<hbm>>
      %dma_wait3A_49 = arith.constant 0 : i32
      %dma_wait3A_50 = tpu.memref_slice %arg2[%add3A_7, %mul3A_36, %dma_wait3A_49] : memref<2048x64x128xf32, #tpu.memory_space<hbm>> -> memref<64x4x128xf32, #tpu.memory_space<hbm>>
      tpu.wait_dma2 semaphore(%run_scoped3A : memref<!tpu.dma_semaphore, #tpu.memory_space<semaphore_mem>>) src(%dma_wait3A_50 : memref<64x4x128xf32, #tpu.memory_space<hbm>>) dst(%arg6 : memref<64x4x128xf32, #tpu.memory_space<vmem>>)
      tpu.yield
    }) : () -> ()
    %scan3A_37 = arith.constant 0 : i32
    %scan3A_38 = arith.constant 0 : i32
    %scan3A_39 = arith.constant 64 : i32
    %scan3A_40 = arith.addi %scan3A_38, %scan3A_39 : i32
    %scan3A_41 = arith.constant 1 : i32
    scf.for %scan3A_45 = %scan3A_38 to %scan3A_40 step %scan3A_41  : i32 {
      %mul3A_46 = arith.constant 64 : i32
      %mul3A_47 = arith.muli %and3A_2, %mul3A_46 : i32
      %add3A_48 = arith.addi %mul3A_47, %scan3A_45 : i32
      %iota3A = tpu.iota {dimensions = array<i32: 0>} : vector<16xi32>
      %add3A_49 = arith.constant 0 : i32
      %add3A_50 = vector.broadcast %add3A_49 : i32 to vector<16xi32>
      %add3A_51 = arith.addi %iota3A, %add3A_50 : vector<16xi32>
      %get3A = arith.constant 0 : i32
      %get3A_52 = arith.index_cast %scan3A_45 : i32 to index
      %get3A_53 = arith.index_cast %get3A : i32 to index
      %get3A_54 = arith.constant 0 : index
      %get3A_55 = tpu.vector_load %arg6[%get3A_52, %get3A_53, %get3A_54] {strides = array<i32>} : memref<64x4x128xf32, #tpu.memory_space<vmem>>, vector<1x1x16xf32>,
      %get3A_56 = vector.shape_cast %get3A_55 : vector<1x1x16xf32> to vector<16xf32>
      %ge3A = vector.broadcast %add3A_48 : i32 to vector<16xi32>
      %ge3A_57 = arith.cmpi sge, %add3A_51, %ge3A : vector<16xi32>
      %jit3A = arith.constant 0.000000e+00 : f32
      %broadcast_in_dim3A_58 = vector.broadcast %jit3A : f32 to vector<16xf32>
      %select_n3A = arith.select %ge3A_57, %get3A_56, %broadcast_in_dim3A_58 : vector<16xi1>, vector<16xf32>
      %swap3A = arith.constant 0 : i32
      %swap3A_59 = arith.index_cast %scan3A_45 : i32 to index
      %swap3A_60 = arith.index_cast %swap3A : i32 to index
      %swap3A_61 = arith.constant 0 : index
      %swap3A_62 = tpu.vector_load %arg6[%swap3A_59, %swap3A_60, %swap3A_61] {strides = array<i32>} : memref<64x4x128xf32, #tpu.memory_space<vmem>>, vector<1x1x16xf32>,
      %swap3A_63 = vector.shape_cast %swap3A_62 : vector<1x1x16xf32> to vector<16xf32>
      %swap3A_64 = vector.shape_cast %select_n3A : vector<16xf32> to vector<1x1x16xf32>
      tpu.vector_store %arg6[%swap3A_59, %swap3A_60, %swap3A_61], %swap3A_64 {strides = array<i32>} : memref<64x4x128xf32, #tpu.memory_space<vmem>>, vector<1x1x16xf32>,
      %iota3A_65 = tpu.iota {dimensions = array<i32: 0>} : vector<16xi32>
      %add3A_66 = arith.constant 16 : i32
      %add3A_67 = vector.broadcast %add3A_66 : i32 to vector<16xi32>
      %add3A_68 = arith.addi %iota3A_65, %add3A_67 : vector<16xi32>
      %get3A_69 = arith.constant 0 : i32
      %get3A_70 = arith.index_cast %scan3A_45 : i32 to index
      %get3A_71 = arith.index_cast %get3A_69 : i32 to index
      %get3A_72 = arith.constant 16 : index
      %get3A_73 = tpu.vector_load %arg6[%get3A_70, %get3A_71, %get3A_72] {strides = array<i32>} : memref<64x4x128xf32, #tpu.memory_space<vmem>>, vector<1x1x16xf32>,
      %get3A_74 = vector.shape_cast %get3A_73 : vector<1x1x16xf32> to vector<16xf32>
      %ge3A_75 = vector.broadcast %add3A_48 : i32 to vector<16xi32>
      %ge3A_76 = arith.cmpi sge, %add3A_68, %ge3A_75 : vector<16xi32>
      %jit3A_77 = arith.constant 0.000000e+00 : f32
      %broadcast_in_dim3A_78 = vector.broadcast %jit3A_77 : f32 to vector<16xf32>
      %select_n3A_79 = arith.select %ge3A_76, %get3A_74, %broadcast_in_dim3A_78 : vector<16xi1>, vector<16xf32>
      %swap3A_80 = arith.constant 0 : i32
      %swap3A_81 = arith.index_cast %scan3A_45 : i32 to index
      %swap3A_82 = arith.index_cast %swap3A_80 : i32 to index
      %swap3A_83 = arith.constant 16 : index
      %swap3A_84 = tpu.vector_load %arg6[%swap3A_81, %swap3A_82, %swap3A_83] {strides = array<i32>} : memref<64x4x128xf32, #tpu.memory_space<vmem>>, vector<1x1x16xf32>,
      %swap3A_85 = vector.shape_cast %swap3A_84 : vector<1x1x16xf32> to vector<16xf32>
      %swap3A_86 = vector.shape_cast %select_n3A_79 : vector<16xf32> to vector<1x1x16xf32>
      tpu.vector_store %arg6[%swap3A_81, %swap3A_82, %swap3A_83], %swap3A_86 {strides = array<i32>} : memref<64x4x128xf32, #tpu.memory_space<vmem>>, vector<1x1x16xf32>,
      %iota3A_87 = tpu.iota {dimensions = array<i32: 0>} : vector<16xi32>
      %add3A_88 = arith.constant 32 : i32
      %add3A_89 = vector.broadcast %add3A_88 : i32 to vector<16xi32>
      %add3A_90 = arith.addi %iota3A_87, %add3A_89 : vector<16xi32>
      %get3A_91 = arith.constant 0 : i32
      %get3A_92 = arith.index_cast %scan3A_45 : i32 to index
      %get3A_93 = arith.index_cast %get3A_91 : i32 to index
      %get3A_94 = arith.constant 32 : index
      %get3A_95 = tpu.vector_load %arg6[%get3A_92, %get3A_93, %get3A_94] {strides = array<i32>} : memref<64x4x128xf32, #tpu.memory_space<vmem>>, vector<1x1x16xf32>,
      %get3A_96 = vector.shape_cast %get3A_95 : vector<1x1x16xf32> to vector<16xf32>
      %ge3A_97 = vector.broadcast %add3A_48 : i32 to vector<16xi32>
      %ge3A_98 = arith.cmpi sge, %add3A_90, %ge3A_97 : vector<16xi32>
      %jit3A_99 = arith.constant 0.000000e+00 : f32
      %broadcast_in_dim3A_100 = vector.broadcast %jit3A_99 : f32 to vector<16xf32>
      %select_n3A_101 = arith.select %ge3A_98, %get3A_96, %broadcast_in_dim3A_100 : vector<16xi1>, vector<16xf32>
      %swap3A_102 = arith.constant 0 : i32
      %swap3A_103 = arith.index_cast %scan3A_45 : i32 to index
      %swap3A_104 = arith.index_cast %swap3A_102 : i32 to index
      %swap3A_105 = arith.constant 32 : index
      %swap3A_106 = tpu.vector_load %arg6[%swap3A_103, %swap3A_104, %swap3A_105] {strides = array<i32>} : memref<64x4x128xf32, #tpu.memory_space<vmem>>, vector<1x1x16xf32>,
      %swap3A_107 = vector.shape_cast %swap3A_106 : vector<1x1x16xf32> to vector<16xf32>
      %swap3A_108 = vector.shape_cast %select_n3A_101 : vector<16xf32> to vector<1x1x16xf32>
      tpu.vector_store %arg6[%swap3A_103, %swap3A_104, %swap3A_105], %swap3A_108 {strides = array<i32>} : memref<64x4x128xf32, #tpu.memory_space<vmem>>, vector<1x1x16xf32>,
      %iota3A_109 = tpu.iota {dimensions = array<i32: 0>} : vector<16xi32>
      %add3A_110 = arith.constant 48 : i32
      %add3A_111 = vector.broadcast %add3A_110 : i32 to vector<16xi32>
      %add3A_112 = arith.addi %iota3A_109, %add3A_111 : vector<16xi32>
      %get3A_113 = arith.constant 0 : i32
      %get3A_114 = arith.index_cast %scan3A_45 : i32 to index
      %get3A_115 = arith.index_cast %get3A_113 : i32 to index
      %get3A_116 = arith.constant 48 : index
      %get3A_117 = tpu.vector_load %arg6[%get3A_114, %get3A_115, %get3A_116] {strides = array<i32>} : memref<64x4x128xf32, #tpu.memory_space<vmem>>, vector<1x1x16xf32>,
      %get3A_118 = vector.shape_cast %get3A_117 : vector<1x1x16xf32> to vector<16xf32>
      %ge3A_119 = vector.broadcast %add3A_48 : i32 to vector<16xi32>
      %ge3A_120 = arith.cmpi sge, %add3A_112, %ge3A_119 : vector<16xi32>
      %jit3A_121 = arith.constant 0.000000e+00 : f32
      %broadcast_in_dim3A_122 = vector.broadcast %jit3A_121 : f32 to vector<16xf32>
      %select_n3A_123 = arith.select %ge3A_120, %get3A_118, %broadcast_in_dim3A_122 : vector<16xi1>, vector<16xf32>
      %swap3A_124 = arith.constant 0 : i32
      %swap3A_125 = arith.index_cast %scan3A_45 : i32 to index
      %swap3A_126 = arith.index_cast %swap3A_124 : i32 to index
      %swap3A_127 = arith.constant 48 : index
      %swap3A_128 = tpu.vector_load %arg6[%swap3A_125, %swap3A_126, %swap3A_127] {strides = array<i32>} : memref<64x4x128xf32, #tpu.memory_space<vmem>>, vector<1x1x16xf32>,
      %swap3A_129 = vector.shape_cast %swap3A_128 : vector<1x1x16xf32> to vector<16xf32>
      %swap3A_130 = vector.shape_cast %select_n3A_123 : vector<16xf32> to vector<1x1x16xf32>
      tpu.vector_store %arg6[%swap3A_125, %swap3A_126, %swap3A_127], %swap3A_130 {strides = array<i32>} : memref<64x4x128xf32, #tpu.memory_space<vmem>>, vector<1x1x16xf32>,
      %iota3A_131 = tpu.iota {dimensions = array<i32: 0>} : vector<16xi32>
      %add3A_132 = arith.constant 64 : i32
      %add3A_133 = vector.broadcast %add3A_132 : i32 to vector<16xi32>
      %add3A_134 = arith.addi %iota3A_131, %add3A_133 : vector<16xi32>
      %get3A_135 = arith.constant 0 : i32
      %get3A_136 = arith.index_cast %scan3A_45 : i32 to index
      %get3A_137 = arith.index_cast %get3A_135 : i32 to index
      %get3A_138 = arith.constant 64 : index
      %get3A_139 = tpu.vector_load %arg6[%get3A_136, %get3A_137, %get3A_138] {strides = array<i32>} : memref<64x4x128xf32, #tpu.memory_space<vmem>>, vector<1x1x16xf32>,
      %get3A_140 = vector.shape_cast %get3A_139 : vector<1x1x16xf32> to vector<16xf32>
      %ge3A_141 = vector.broadcast %add3A_48 : i32 to vector<16xi32>
      %ge3A_142 = arith.cmpi sge, %add3A_134, %ge3A_141 : vector<16xi32>
      %jit3A_143 = arith.constant 0.000000e+00 : f32
      %broadcast_in_dim3A_144 = vector.broadcast %jit3A_143 : f32 to vector<16xf32>
      %select_n3A_145 = arith.select %ge3A_142, %get3A_140, %broadcast_in_dim3A_144 : vector<16xi1>, vector<16xf32>
      %swap3A_146 = arith.constant 0 : i32
      %swap3A_147 = arith.index_cast %scan3A_45 : i32 to index
      %swap3A_148 = arith.index_cast %swap3A_146 : i32 to index
      %swap3A_149 = arith.constant 64 : index
      %swap3A_150 = tpu.vector_load %arg6[%swap3A_147, %swap3A_148, %swap3A_149] {strides = array<i32>} : memref<64x4x128xf32, #tpu.memory_space<vmem>>, vector<1x1x16xf32>,
      %swap3A_151 = vector.shape_cast %swap3A_150 : vector<1x1x16xf32> to vector<16xf32>
      %swap3A_152 = vector.shape_cast %select_n3A_145 : vector<16xf32> to vector<1x1x16xf32>
      tpu.vector_store %arg6[%swap3A_147, %swap3A_148, %swap3A_149], %swap3A_152 {strides = array<i32>} : memref<64x4x128xf32, #tpu.memory_space<vmem>>, vector<1x1x16xf32>,
      %iota3A_153 = tpu.iota {dimensions = array<i32: 0>} : vector<16xi32>
      %add3A_154 = arith.constant 80 : i32
      %add3A_155 = vector.broadcast %add3A_154 : i32 to vector<16xi32>
      %add3A_156 = arith.addi %iota3A_153, %add3A_155 : vector<16xi32>
      %get3A_157 = arith.constant 0 : i32
      %get3A_158 = arith.index_cast %scan3A_45 : i32 to index
      %get3A_159 = arith.index_cast %get3A_157 : i32 to index
      %get3A_160 = arith.constant 80 : index
      %get3A_161 = tpu.vector_load %arg6[%get3A_158, %get3A_159, %get3A_160] {strides = array<i32>} : memref<64x4x128xf32, #tpu.memory_space<vmem>>, vector<1x1x16xf32>,
      %get3A_162 = vector.shape_cast %get3A_161 : vector<1x1x16xf32> to vector<16xf32>
      %ge3A_163 = vector.broadcast %add3A_48 : i32 to vector<16xi32>
      %ge3A_164 = arith.cmpi sge, %add3A_156, %ge3A_163 : vector<16xi32>
      %jit3A_165 = arith.constant 0.000000e+00 : f32
      %broadcast_in_dim3A_166 = vector.broadcast %jit3A_165 : f32 to vector<16xf32>
      %select_n3A_167 = arith.select %ge3A_164, %get3A_162, %broadcast_in_dim3A_166 : vector<16xi1>, vector<16xf32>
      %swap3A_168 = arith.constant 0 : i32
      %swap3A_169 = arith.index_cast %scan3A_45 : i32 to index
      %swap3A_170 = arith.index_cast %swap3A_168 : i32 to index
      %swap3A_171 = arith.constant 80 : index
      %swap3A_172 = tpu.vector_load %arg6[%swap3A_169, %swap3A_170, %swap3A_171] {strides = array<i32>} : memref<64x4x128xf32, #tpu.memory_space<vmem>>, vector<1x1x16xf32>,
      %swap3A_173 = vector.shape_cast %swap3A_172 : vector<1x1x16xf32> to vector<16xf32>
      %swap3A_174 = vector.shape_cast %select_n3A_167 : vector<16xf32> to vector<1x1x16xf32>
      tpu.vector_store %arg6[%swap3A_169, %swap3A_170, %swap3A_171], %swap3A_174 {strides = array<i32>} : memref<64x4x128xf32, #tpu.memory_space<vmem>>, vector<1x1x16xf32>,
      %iota3A_175 = tpu.iota {dimensions = array<i32: 0>} : vector<16xi32>
      %add3A_176 = arith.constant 96 : i32
      %add3A_177 = vector.broadcast %add3A_176 : i32 to vector<16xi32>
      %add3A_178 = arith.addi %iota3A_175, %add3A_177 : vector<16xi32>
      %get3A_179 = arith.constant 0 : i32
      %get3A_180 = arith.index_cast %scan3A_45 : i32 to index
      %get3A_181 = arith.index_cast %get3A_179 : i32 to index
      %get3A_182 = arith.constant 96 : index
      %get3A_183 = tpu.vector_load %arg6[%get3A_180, %get3A_181, %get3A_182] {strides = array<i32>} : memref<64x4x128xf32, #tpu.memory_space<vmem>>, vector<1x1x16xf32>,
      %get3A_184 = vector.shape_cast %get3A_183 : vector<1x1x16xf32> to vector<16xf32>
      %ge3A_185 = vector.broadcast %add3A_48 : i32 to vector<16xi32>
      %ge3A_186 = arith.cmpi sge, %add3A_178, %ge3A_185 : vector<16xi32>
      %jit3A_187 = arith.constant 0.000000e+00 : f32
      %broadcast_in_dim3A_188 = vector.broadcast %jit3A_187 : f32 to vector<16xf32>
      %select_n3A_189 = arith.select %ge3A_186, %get3A_184, %broadcast_in_dim3A_188 : vector<16xi1>, vector<16xf32>
      %swap3A_190 = arith.constant 0 : i32
      %swap3A_191 = arith.index_cast %scan3A_45 : i32 to index
      %swap3A_192 = arith.index_cast %swap3A_190 : i32 to index
      %swap3A_193 = arith.constant 96 : index
      %swap3A_194 = tpu.vector_load %arg6[%swap3A_191, %swap3A_192, %swap3A_193] {strides = array<i32>} : memref<64x4x128xf32, #tpu.memory_space<vmem>>, vector<1x1x16xf32>,
      %swap3A_195 = vector.shape_cast %swap3A_194 : vector<1x1x16xf32> to vector<16xf32>
      %swap3A_196 = vector.shape_cast %select_n3A_189 : vector<16xf32> to vector<1x1x16xf32>
      tpu.vector_store %arg6[%swap3A_191, %swap3A_192, %swap3A_193], %swap3A_196 {strides = array<i32>} : memref<64x4x128xf32, #tpu.memory_space<vmem>>, vector<1x1x16xf32>,
      %iota3A_197 = tpu.iota {dimensions = array<i32: 0>} : vector<16xi32>
      %add3A_198 = arith.constant 112 : i32
      %add3A_199 = vector.broadcast %add3A_198 : i32 to vector<16xi32>
      %add3A_200 = arith.addi %iota3A_197, %add3A_199 : vector<16xi32>
      %get3A_201 = arith.constant 0 : i32
      %get3A_202 = arith.index_cast %scan3A_45 : i32 to index
      %get3A_203 = arith.index_cast %get3A_201 : i32 to index
      %get3A_204 = arith.constant 112 : index
      %get3A_205 = tpu.vector_load %arg6[%get3A_202, %get3A_203, %get3A_204] {strides = array<i32>} : memref<64x4x128xf32, #tpu.memory_space<vmem>>, vector<1x1x16xf32>,
      %get3A_206 = vector.shape_cast %get3A_205 : vector<1x1x16xf32> to vector<16xf32>
      %ge3A_207 = vector.broadcast %add3A_48 : i32 to vector<16xi32>
      %ge3A_208 = arith.cmpi sge, %add3A_200, %ge3A_207 : vector<16xi32>
      %jit3A_209 = arith.constant 0.000000e+00 : f32
      %broadcast_in_dim3A_210 = vector.broadcast %jit3A_209 : f32 to vector<16xf32>
      %select_n3A_211 = arith.select %ge3A_208, %get3A_206, %broadcast_in_dim3A_210 : vector<16xi1>, vector<16xf32>
      %swap3A_212 = arith.constant 0 : i32
      %swap3A_213 = arith.index_cast %scan3A_45 : i32 to index
      %swap3A_214 = arith.index_cast %swap3A_212 : i32 to index
      %swap3A_215 = arith.constant 112 : index
      %swap3A_216 = tpu.vector_load %arg6[%swap3A_213, %swap3A_214, %swap3A_215] {strides = array<i32>} : memref<64x4x128xf32, #tpu.memory_space<vmem>>, vector<1x1x16xf32>,
      %swap3A_217 = vector.shape_cast %swap3A_216 : vector<1x1x16xf32> to vector<16xf32>
      %swap3A_218 = vector.shape_cast %select_n3A_211 : vector<16xf32> to vector<1x1x16xf32>
      tpu.vector_store %arg6[%swap3A_213, %swap3A_214, %swap3A_215], %swap3A_218 {strides = array<i32>} : memref<64x4x128xf32, #tpu.memory_space<vmem>>, vector<1x1x16xf32>,
      %iota3A_219 = tpu.iota {dimensions = array<i32: 0>} : vector<16xi32>
      %add3A_220 = arith.constant 0 : i32
      %add3A_221 = vector.broadcast %add3A_220 : i32 to vector<16xi32>
      %add3A_222 = arith.addi %iota3A_219, %add3A_221 : vector<16xi32>
      %get3A_223 = arith.constant 1 : i32
      %get3A_224 = arith.index_cast %scan3A_45 : i32 to index
      %get3A_225 = arith.index_cast %get3A_223 : i32 to index
      %get3A_226 = arith.constant 0 : index
      %get3A_227 = tpu.vector_load %arg6[%get3A_224, %get3A_225, %get3A_226] {strides = array<i32>} : memref<64x4x128xf32, #tpu.memory_space<vmem>>, vector<1x1x16xf32>,
      %get3A_228 = vector.shape_cast %get3A_227 : vector<1x1x16xf32> to vector<16xf32>
      %ge3A_229 = vector.broadcast %add3A_48 : i32 to vector<16xi32>
      %ge3A_230 = arith.cmpi sge, %add3A_222, %ge3A_229 : vector<16xi32>
      %jit3A_231 = arith.constant 0.000000e+00 : f32
      %broadcast_in_dim3A_232 = vector.broadcast %jit3A_231 : f32 to vector<16xf32>
      %select_n3A_233 = arith.select %ge3A_230, %get3A_228, %broadcast_in_dim3A_232 : vector<16xi1>, vector<16xf32>
      %swap3A_234 = arith.constant 1 : i32
      %swap3A_235 = arith.index_cast %scan3A_45 : i32 to index
      %swap3A_236 = arith.index_cast %swap3A_234 : i32 to index
      %swap3A_237 = arith.constant 0 : index
      %swap3A_238 = tpu.vector_load %arg6[%swap3A_235, %swap3A_236, %swap3A_237] {strides = array<i32>} : memref<64x4x128xf32, #tpu.memory_space<vmem>>, vector<1x1x16xf32>,
      %swap3A_239 = vector.shape_cast %swap3A_238 : vector<1x1x16xf32> to vector<16xf32>
      %swap3A_240 = vector.shape_cast %select_n3A_233 : vector<16xf32> to vector<1x1x16xf32>
      tpu.vector_store %arg6[%swap3A_235, %swap3A_236, %swap3A_237], %swap3A_240 {strides = array<i32>} : memref<64x4x128xf32, #tpu.memory_space<vmem>>, vector<1x1x16xf32>,
      %iota3A_241 = tpu.iota {dimensions = array<i32: 0>} : vector<16xi32>
      %add3A_242 = arith.constant 16 : i32
      %add3A_243 = vector.broadcast %add3A_242 : i32 to vector<16xi32>
      %add3A_244 = arith.addi %iota3A_241, %add3A_243 : vector<16xi32>
      %get3A_245 = arith.constant 1 : i32
      %get3A_246 = arith.index_cast %scan3A_45 : i32 to index
      %get3A_247 = arith.index_cast %get3A_245 : i32 to index
      %get3A_248 = arith.constant 16 : index
      %get3A_249 = tpu.vector_load %arg6[%get3A_246, %get3A_247, %get3A_248] {strides = array<i32>} : memref<64x4x128xf32, #tpu.memory_space<vmem>>, vector<1x1x16xf32>,
      %get3A_250 = vector.shape_cast %get3A_249 : vector<1x1x16xf32> to vector<16xf32>
      %ge3A_251 = vector.broadcast %add3A_48 : i32 to vector<16xi32>
      %ge3A_252 = arith.cmpi sge, %add3A_244, %ge3A_251 : vector<16xi32>
      %jit3A_253 = arith.constant 0.000000e+00 : f32
      %broadcast_in_dim3A_254 = vector.broadcast %jit3A_253 : f32 to vector<16xf32>
      %select_n3A_255 = arith.select %ge3A_252, %get3A_250, %broadcast_in_dim3A_254 : vector<16xi1>, vector<16xf32>
      %swap3A_256 = arith.constant 1 : i32
      %swap3A_257 = arith.index_cast %scan3A_45 : i32 to index
      %swap3A_258 = arith.index_cast %swap3A_256 : i32 to index
      %swap3A_259 = arith.constant 16 : index
      %swap3A_260 = tpu.vector_load %arg6[%swap3A_257, %swap3A_258, %swap3A_259] {strides = array<i32>} : memref<64x4x128xf32, #tpu.memory_space<vmem>>, vector<1x1x16xf32>,
      %swap3A_261 = vector.shape_cast %swap3A_260 : vector<1x1x16xf32> to vector<16xf32>
      %swap3A_262 = vector.shape_cast %select_n3A_255 : vector<16xf32> to vector<1x1x16xf32>
      tpu.vector_store %arg6[%swap3A_257, %swap3A_258, %swap3A_259], %swap3A_262 {strides = array<i32>} : memref<64x4x128xf32, #tpu.memory_space<vmem>>, vector<1x1x16xf32>,
      %iota3A_263 = tpu.iota {dimensions = array<i32: 0>} : vector<16xi32>
      %add3A_264 = arith.constant 32 : i32
      %add3A_265 = vector.broadcast %add3A_264 : i32 to vector<16xi32>
      %add3A_266 = arith.addi %iota3A_263, %add3A_265 : vector<16xi32>
      %get3A_267 = arith.constant 1 : i32
      %get3A_268 = arith.index_cast %scan3A_45 : i32 to index
      %get3A_269 = arith.index_cast %get3A_267 : i32 to index
      %get3A_270 = arith.constant 32 : index
      %get3A_271 = tpu.vector_load %arg6[%get3A_268, %get3A_269, %get3A_270] {strides = array<i32>} : memref<64x4x128xf32, #tpu.memory_space<vmem>>, vector<1x1x16xf32>,
      %get3A_272 = vector.shape_cast %get3A_271 : vector<1x1x16xf32> to vector<16xf32>
      %ge3A_273 = vector.broadcast %add3A_48 : i32 to vector<16xi32>
      %ge3A_274 = arith.cmpi sge, %add3A_266, %ge3A_273 : vector<16xi32>
      %jit3A_275 = arith.constant 0.000000e+00 : f32
      %broadcast_in_dim3A_276 = vector.broadcast %jit3A_275 : f32 to vector<16xf32>
      %select_n3A_277 = arith.select %ge3A_274, %get3A_272, %broadcast_in_dim3A_276 : vector<16xi1>, vector<16xf32>
      %swap3A_278 = arith.constant 1 : i32
      %swap3A_279 = arith.index_cast %scan3A_45 : i32 to index
      %swap3A_280 = arith.index_cast %swap3A_278 : i32 to index
      %swap3A_281 = arith.constant 32 : index
      %swap3A_282 = tpu.vector_load %arg6[%swap3A_279, %swap3A_280, %swap3A_281] {strides = array<i32>} : memref<64x4x128xf32, #tpu.memory_space<vmem>>, vector<1x1x16xf32>,
      %swap3A_283 = vector.shape_cast %swap3A_282 : vector<1x1x16xf32> to vector<16xf32>
      %swap3A_284 = vector.shape_cast %select_n3A_277 : vector<16xf32> to vector<1x1x16xf32>
      tpu.vector_store %arg6[%swap3A_279, %swap3A_280, %swap3A_281], %swap3A_284 {strides = array<i32>} : memref<64x4x128xf32, #tpu.memory_space<vmem>>, vector<1x1x16xf32>,
      %iota3A_285 = tpu.iota {dimensions = array<i32: 0>} : vector<16xi32>
      %add3A_286 = arith.constant 48 : i32
      %add3A_287 = vector.broadcast %add3A_286 : i32 to vector<16xi32>
      %add3A_288 = arith.addi %iota3A_285, %add3A_287 : vector<16xi32>
      %get3A_289 = arith.constant 1 : i32
      %get3A_290 = arith.index_cast %scan3A_45 : i32 to index
      %get3A_291 = arith.index_cast %get3A_289 : i32 to index
      %get3A_292 = arith.constant 48 : index
      %get3A_293 = tpu.vector_load %arg6[%get3A_290, %get3A_291, %get3A_292] {strides = array<i32>} : memref<64x4x128xf32, #tpu.memory_space<vmem>>, vector<1x1x16xf32>,
      %get3A_294 = vector.shape_cast %get3A_293 : vector<1x1x16xf32> to vector<16xf32>
      %ge3A_295 = vector.broadcast %add3A_48 : i32 to vector<16xi32>
      %ge3A_296 = arith.cmpi sge, %add3A_288, %ge3A_295 : vector<16xi32>
      %jit3A_297 = arith.constant 0.000000e+00 : f32
      %broadcast_in_dim3A_298 = vector.broadcast %jit3A_297 : f32 to vector<16xf32>
      %select_n3A_299 = arith.select %ge3A_296, %get3A_294, %broadcast_in_dim3A_298 : vector<16xi1>, vector<16xf32>
      %swap3A_300 = arith.constant 1 : i32
      %swap3A_301 = arith.index_cast %scan3A_45 : i32 to index
      %swap3A_302 = arith.index_cast %swap3A_300 : i32 to index
      %swap3A_303 = arith.constant 48 : index
      %swap3A_304 = tpu.vector_load %arg6[%swap3A_301, %swap3A_302, %swap3A_303] {strides = array<i32>} : memref<64x4x128xf32, #tpu.memory_space<vmem>>, vector<1x1x16xf32>,
      %swap3A_305 = vector.shape_cast %swap3A_304 : vector<1x1x16xf32> to vector<16xf32>
      %swap3A_306 = vector.shape_cast %select_n3A_299 : vector<16xf32> to vector<1x1x16xf32>
      tpu.vector_store %arg6[%swap3A_301, %swap3A_302, %swap3A_303], %swap3A_306 {strides = array<i32>} : memref<64x4x128xf32, #tpu.memory_space<vmem>>, vector<1x1x16xf32>,
      %iota3A_307 = tpu.iota {dimensions = array<i32: 0>} : vector<16xi32>
      %add3A_308 = arith.constant 64 : i32
      %add3A_309 = vector.broadcast %add3A_308 : i32 to vector<16xi32>
      %add3A_310 = arith.addi %iota3A_307, %add3A_309 : vector<16xi32>
      %get3A_311 = arith.constant 1 : i32
      %get3A_312 = arith.index_cast %scan3A_45 : i32 to index
      %get3A_313 = arith.index_cast %get3A_311 : i32 to index
      %get3A_314 = arith.constant 64 : index
      %get3A_315 = tpu.vector_load %arg6[%get3A_312, %get3A_313, %get3A_314] {strides = array<i32>} : memref<64x4x128xf32, #tpu.memory_space<vmem>>, vector<1x1x16xf32>,
      %get3A_316 = vector.shape_cast %get3A_315 : vector<1x1x16xf32> to vector<16xf32>
      %ge3A_317 = vector.broadcast %add3A_48 : i32 to vector<16xi32>
      %ge3A_318 = arith.cmpi sge, %add3A_310, %ge3A_317 : vector<16xi32>
      %jit3A_319 = arith.constant 0.000000e+00 : f32
      %broadcast_in_dim3A_320 = vector.broadcast %jit3A_319 : f32 to vector<16xf32>
      %select_n3A_321 = arith.select %ge3A_318, %get3A_316, %broadcast_in_dim3A_320 : vector<16xi1>, vector<16xf32>
      %swap3A_322 = arith.constant 1 : i32
      %swap3A_323 = arith.index_cast %scan3A_45 : i32 to index
      %swap3A_324 = arith.index_cast %swap3A_322 : i32 to index
      %swap3A_325 = arith.constant 64 : index
      %swap3A_326 = tpu.vector_load %arg6[%swap3A_323, %swap3A_324, %swap3A_325] {strides = array<i32>} : memref<64x4x128xf32, #tpu.memory_space<vmem>>, vector<1x1x16xf32>,
      %swap3A_327 = vector.shape_cast %swap3A_326 : vector<1x1x16xf32> to vector<16xf32>
      %swap3A_328 = vector.shape_cast %select_n3A_321 : vector<16xf32> to vector<1x1x16xf32>
      tpu.vector_store %arg6[%swap3A_323, %swap3A_324, %swap3A_325], %swap3A_328 {strides = array<i32>} : memref<64x4x128xf32, #tpu.memory_space<vmem>>, vector<1x1x16xf32>,
      %iota3A_329 = tpu.iota {dimensions = array<i32: 0>} : vector<16xi32>
      %add3A_330 = arith.constant 80 : i32
      %add3A_331 = vector.broadcast %add3A_330 : i32 to vector<16xi32>
      %add3A_332 = arith.addi %iota3A_329, %add3A_331 : vector<16xi32>
      %get3A_333 = arith.constant 1 : i32
      %get3A_334 = arith.index_cast %scan3A_45 : i32 to index
      %get3A_335 = arith.index_cast %get3A_333 : i32 to index
      %get3A_336 = arith.constant 80 : index
      %get3A_337 = tpu.vector_load %arg6[%get3A_334, %get3A_335, %get3A_336] {strides = array<i32>} : memref<64x4x128xf32, #tpu.memory_space<vmem>>, vector<1x1x16xf32>,
      %get3A_338 = vector.shape_cast %get3A_337 : vector<1x1x16xf32> to vector<16xf32>
      %ge3A_339 = vector.broadcast %add3A_48 : i32 to vector<16xi32>
      %ge3A_340 = arith.cmpi sge, %add3A_332, %ge3A_339 : vector<16xi32>
      %jit3A_341 = arith.constant 0.000000e+00 : f32
      %broadcast_in_dim3A_342 = vector.broadcast %jit3A_341 : f32 to vector<16xf32>
      %select_n3A_343 = arith.select %ge3A_340, %get3A_338, %broadcast_in_dim3A_342 : vector<16xi1>, vector<16xf32>
      %swap3A_344 = arith.constant 1 : i32
      %swap3A_345 = arith.index_cast %scan3A_45 : i32 to index
      %swap3A_346 = arith.index_cast %swap3A_344 : i32 to index
      %swap3A_347 = arith.constant 80 : index
      %swap3A_348 = tpu.vector_load %arg6[%swap3A_345, %swap3A_346, %swap3A_347] {strides = array<i32>} : memref<64x4x128xf32, #tpu.memory_space<vmem>>, vector<1x1x16xf32>,
      %swap3A_349 = vector.shape_cast %swap3A_348 : vector<1x1x16xf32> to vector<16xf32>
      %swap3A_350 = vector.shape_cast %select_n3A_343 : vector<16xf32> to vector<1x1x16xf32>
      tpu.vector_store %arg6[%swap3A_345, %swap3A_346, %swap3A_347], %swap3A_350 {strides = array<i32>} : memref<64x4x128xf32, #tpu.memory_space<vmem>>, vector<1x1x16xf32>,
      %iota3A_351 = tpu.iota {dimensions = array<i32: 0>} : vector<16xi32>
      %add3A_352 = arith.constant 96 : i32
      %add3A_353 = vector.broadcast %add3A_352 : i32 to vector<16xi32>
      %add3A_354 = arith.addi %iota3A_351, %add3A_353 : vector<16xi32>
      %get3A_355 = arith.constant 1 : i32
      %get3A_356 = arith.index_cast %scan3A_45 : i32 to index
      %get3A_357 = arith.index_cast %get3A_355 : i32 to index
      %get3A_358 = arith.constant 96 : index
      %get3A_359 = tpu.vector_load %arg6[%get3A_356, %get3A_357, %get3A_358] {strides = array<i32>} : memref<64x4x128xf32, #tpu.memory_space<vmem>>, vector<1x1x16xf32>,
      %get3A_360 = vector.shape_cast %get3A_359 : vector<1x1x16xf32> to vector<16xf32>
      %ge3A_361 = vector.broadcast %add3A_48 : i32 to vector<16xi32>
      %ge3A_362 = arith.cmpi sge, %add3A_354, %ge3A_361 : vector<16xi32>
      %jit3A_363 = arith.constant 0.000000e+00 : f32
      %broadcast_in_dim3A_364 = vector.broadcast %jit3A_363 : f32 to vector<16xf32>
      %select_n3A_365 = arith.select %ge3A_362, %get3A_360, %broadcast_in_dim3A_364 : vector<16xi1>, vector<16xf32>
      %swap3A_366 = arith.constant 1 : i32
      %swap3A_367 = arith.index_cast %scan3A_45 : i32 to index
      %swap3A_368 = arith.index_cast %swap3A_366 : i32 to index
      %swap3A_369 = arith.constant 96 : index
      %swap3A_370 = tpu.vector_load %arg6[%swap3A_367, %swap3A_368, %swap3A_369] {strides = array<i32>} : memref<64x4x128xf32, #tpu.memory_space<vmem>>, vector<1x1x16xf32>,
      %swap3A_371 = vector.shape_cast %swap3A_370 : vector<1x1x16xf32> to vector<16xf32>
      %swap3A_372 = vector.shape_cast %select_n3A_365 : vector<16xf32> to vector<1x1x16xf32>
      tpu.vector_store %arg6[%swap3A_367, %swap3A_368, %swap3A_369], %swap3A_372 {strides = array<i32>} : memref<64x4x128xf32, #tpu.memory_space<vmem>>, vector<1x1x16xf32>,
      %iota3A_373 = tpu.iota {dimensions = array<i32: 0>} : vector<16xi32>
      %add3A_374 = arith.constant 112 : i32
      %add3A_375 = vector.broadcast %add3A_374 : i32 to vector<16xi32>
      %add3A_376 = arith.addi %iota3A_373, %add3A_375 : vector<16xi32>
      %get3A_377 = arith.constant 1 : i32
      %get3A_378 = arith.index_cast %scan3A_45 : i32 to index
      %get3A_379 = arith.index_cast %get3A_377 : i32 to index
      %get3A_380 = arith.constant 112 : index
      %get3A_381 = tpu.vector_load %arg6[%get3A_378, %get3A_379, %get3A_380] {strides = array<i32>} : memref<64x4x128xf32, #tpu.memory_space<vmem>>, vector<1x1x16xf32>,
      %get3A_382 = vector.shape_cast %get3A_381 : vector<1x1x16xf32> to vector<16xf32>
      %ge3A_383 = vector.broadcast %add3A_48 : i32 to vector<16xi32>
      %ge3A_384 = arith.cmpi sge, %add3A_376, %ge3A_383 : vector<16xi32>
      %jit3A_385 = arith.constant 0.000000e+00 : f32
      %broadcast_in_dim3A_386 = vector.broadcast %jit3A_385 : f32 to vector<16xf32>
      %select_n3A_387 = arith.select %ge3A_384, %get3A_382, %broadcast_in_dim3A_386 : vector<16xi1>, vector<16xf32>
      %swap3A_388 = arith.constant 1 : i32
      %swap3A_389 = arith.index_cast %scan3A_45 : i32 to index
      %swap3A_390 = arith.index_cast %swap3A_388 : i32 to index
      %swap3A_391 = arith.constant 112 : index
      %swap3A_392 = tpu.vector_load %arg6[%swap3A_389, %swap3A_390, %swap3A_391] {strides = array<i32>} : memref<64x4x128xf32, #tpu.memory_space<vmem>>, vector<1x1x16xf32>,
      %swap3A_393 = vector.shape_cast %swap3A_392 : vector<1x1x16xf32> to vector<16xf32>
      %swap3A_394 = vector.shape_cast %select_n3A_387 : vector<16xf32> to vector<1x1x16xf32>
      tpu.vector_store %arg6[%swap3A_389, %swap3A_390, %swap3A_391], %swap3A_394 {strides = array<i32>} : memref<64x4x128xf32, #tpu.memory_space<vmem>>, vector<1x1x16xf32>,
      %iota3A_395 = tpu.iota {dimensions = array<i32: 0>} : vector<16xi32>
      %add3A_396 = arith.constant 0 : i32
      %add3A_397 = vector.broadcast %add3A_396 : i32 to vector<16xi32>
      %add3A_398 = arith.addi %iota3A_395, %add3A_397 : vector<16xi32>
      %get3A_399 = arith.constant 2 : i32
      %get3A_400 = arith.index_cast %scan3A_45 : i32 to index
      %get3A_401 = arith.index_cast %get3A_399 : i32 to index
      %get3A_402 = arith.constant 0 : index
      %get3A_403 = tpu.vector_load %arg6[%get3A_400, %get3A_401, %get3A_402] {strides = array<i32>} : memref<64x4x128xf32, #tpu.memory_space<vmem>>, vector<1x1x16xf32>,
      %get3A_404 = vector.shape_cast %get3A_403 : vector<1x1x16xf32> to vector<16xf32>
      %ge3A_405 = vector.broadcast %add3A_48 : i32 to vector<16xi32>
      %ge3A_406 = arith.cmpi sge, %add3A_398, %ge3A_405 : vector<16xi32>
      %jit3A_407 = arith.constant 0.000000e+00 : f32
      %broadcast_in_dim3A_408 = vector.broadcast %jit3A_407 : f32 to vector<16xf32>
      %select_n3A_409 = arith.select %ge3A_406, %get3A_404, %broadcast_in_dim3A_408 : vector<16xi1>, vector<16xf32>
      %swap3A_410 = arith.constant 2 : i32
      %swap3A_411 = arith.index_cast %scan3A_45 : i32 to index
      %swap3A_412 = arith.index_cast %swap3A_410 : i32 to index
      %swap3A_413 = arith.constant 0 : index
      %swap3A_414 = tpu.vector_load %arg6[%swap3A_411, %swap3A_412, %swap3A_413] {strides = array<i32>} : memref<64x4x128xf32, #tpu.memory_space<vmem>>, vector<1x1x16xf32>,
      %swap3A_415 = vector.shape_cast %swap3A_414 : vector<1x1x16xf32> to vector<16xf32>
      %swap3A_416 = vector.shape_cast %select_n3A_409 : vector<16xf32> to vector<1x1x16xf32>
      tpu.vector_store %arg6[%swap3A_411, %swap3A_412, %swap3A_413], %swap3A_416 {strides = array<i32>} : memref<64x4x128xf32, #tpu.memory_space<vmem>>, vector<1x1x16xf32>,
      %iota3A_417 = tpu.iota {dimensions = array<i32: 0>} : vector<16xi32>
      %add3A_418 = arith.constant 16 : i32
      %add3A_419 = vector.broadcast %add3A_418 : i32 to vector<16xi32>
      %add3A_420 = arith.addi %iota3A_417, %add3A_419 : vector<16xi32>
      %get3A_421 = arith.constant 2 : i32
      %get3A_422 = arith.index_cast %scan3A_45 : i32 to index
      %get3A_423 = arith.index_cast %get3A_421 : i32 to index
      %get3A_424 = arith.constant 16 : index
      %get3A_425 = tpu.vector_load %arg6[%get3A_422, %get3A_423, %get3A_424] {strides = array<i32>} : memref<64x4x128xf32, #tpu.memory_space<vmem>>, vector<1x1x16xf32>,
      %get3A_426 = vector.shape_cast %get3A_425 : vector<1x1x16xf32> to vector<16xf32>
      %ge3A_427 = vector.broadcast %add3A_48 : i32 to vector<16xi32>
      %ge3A_428 = arith.cmpi sge, %add3A_420, %ge3A_427 : vector<16xi32>
      %jit3A_429 = arith.constant 0.000000e+00 : f32
      %broadcast_in_dim3A_430 = vector.broadcast %jit3A_429 : f32 to vector<16xf32>
      %select_n3A_431 = arith.select %ge3A_428, %get3A_426, %broadcast_in_dim3A_430 : vector<16xi1>, vector<16xf32>
      %swap3A_432 = arith.constant 2 : i32
      %swap3A_433 = arith.index_cast %scan3A_45 : i32 to index
      %swap3A_434 = arith.index_cast %swap3A_432 : i32 to index
      %swap3A_435 = arith.constant 16 : index
      %swap3A_436 = tpu.vector_load %arg6[%swap3A_433, %swap3A_434, %swap3A_435] {strides = array<i32>} : memref<64x4x128xf32, #tpu.memory_space<vmem>>, vector<1x1x16xf32>,
      %swap3A_437 = vector.shape_cast %swap3A_436 : vector<1x1x16xf32> to vector<16xf32>
      %swap3A_438 = vector.shape_cast %select_n3A_431 : vector<16xf32> to vector<1x1x16xf32>
      tpu.vector_store %arg6[%swap3A_433, %swap3A_434, %swap3A_435], %swap3A_438 {strides = array<i32>} : memref<64x4x128xf32, #tpu.memory_space<vmem>>, vector<1x1x16xf32>,
      %iota3A_439 = tpu.iota {dimensions = array<i32: 0>} : vector<16xi32>
      %add3A_440 = arith.constant 32 : i32
      %add3A_441 = vector.broadcast %add3A_440 : i32 to vector<16xi32>
      %add3A_442 = arith.addi %iota3A_439, %add3A_441 : vector<16xi32>
      %get3A_443 = arith.constant 2 : i32
      %get3A_444 = arith.index_cast %scan3A_45 : i32 to index
      %get3A_445 = arith.index_cast %get3A_443 : i32 to index
      %get3A_446 = arith.constant 32 : index
      %get3A_447 = tpu.vector_load %arg6[%get3A_444, %get3A_445, %get3A_446] {strides = array<i32>} : memref<64x4x128xf32, #tpu.memory_space<vmem>>, vector<1x1x16xf32>,
      %get3A_448 = vector.shape_cast %get3A_447 : vector<1x1x16xf32> to vector<16xf32>
      %ge3A_449 = vector.broadcast %add3A_48 : i32 to vector<16xi32>
      %ge3A_450 = arith.cmpi sge, %add3A_442, %ge3A_449 : vector<16xi32>
      %jit3A_451 = arith.constant 0.000000e+00 : f32
      %broadcast_in_dim3A_452 = vector.broadcast %jit3A_451 : f32 to vector<16xf32>
      %select_n3A_453 = arith.select %ge3A_450, %get3A_448, %broadcast_in_dim3A_452 : vector<16xi1>, vector<16xf32>
      %swap3A_454 = arith.constant 2 : i32
      %swap3A_455 = arith.index_cast %scan3A_45 : i32 to index
      %swap3A_456 = arith.index_cast %swap3A_454 : i32 to index
      %swap3A_457 = arith.constant 32 : index
      %swap3A_458 = tpu.vector_load %arg6[%swap3A_455, %swap3A_456, %swap3A_457] {strides = array<i32>} : memref<64x4x128xf32, #tpu.memory_space<vmem>>, vector<1x1x16xf32>,
      %swap3A_459 = vector.shape_cast %swap3A_458 : vector<1x1x16xf32> to vector<16xf32>
      %swap3A_460 = vector.shape_cast %select_n3A_453 : vector<16xf32> to vector<1x1x16xf32>
      tpu.vector_store %arg6[%swap3A_455, %swap3A_456, %swap3A_457], %swap3A_460 {strides = array<i32>} : memref<64x4x128xf32, #tpu.memory_space<vmem>>, vector<1x1x16xf32>,
      %iota3A_461 = tpu.iota {dimensions = array<i32: 0>} : vector<16xi32>
      %add3A_462 = arith.constant 48 : i32
      %add3A_463 = vector.broadcast %add3A_462 : i32 to vector<16xi32>
      %add3A_464 = arith.addi %iota3A_461, %add3A_463 : vector<16xi32>
      %get3A_465 = arith.constant 2 : i32
      %get3A_466 = arith.index_cast %scan3A_45 : i32 to index
      %get3A_467 = arith.index_cast %get3A_465 : i32 to index
      %get3A_468 = arith.constant 48 : index
      %get3A_469 = tpu.vector_load %arg6[%get3A_466, %get3A_467, %get3A_468] {strides = array<i32>} : memref<64x4x128xf32, #tpu.memory_space<vmem>>, vector<1x1x16xf32>,
      %get3A_470 = vector.shape_cast %get3A_469 : vector<1x1x16xf32> to vector<16xf32>
      %ge3A_471 = vector.broadcast %add3A_48 : i32 to vector<16xi32>
      %ge3A_472 = arith.cmpi sge, %add3A_464, %ge3A_471 : vector<16xi32>
      %jit3A_473 = arith.constant 0.000000e+00 : f32
      %broadcast_in_dim3A_474 = vector.broadcast %jit3A_473 : f32 to vector<16xf32>
      %select_n3A_475 = arith.select %ge3A_472, %get3A_470, %broadcast_in_dim3A_474 : vector<16xi1>, vector<16xf32>
      %swap3A_476 = arith.constant 2 : i32
      %swap3A_477 = arith.index_cast %scan3A_45 : i32 to index
      %swap3A_478 = arith.index_cast %swap3A_476 : i32 to index
      %swap3A_479 = arith.constant 48 : index
      %swap3A_480 = tpu.vector_load %arg6[%swap3A_477, %swap3A_478, %swap3A_479] {strides = array<i32>} : memref<64x4x128xf32, #tpu.memory_space<vmem>>, vector<1x1x16xf32>,
      %swap3A_481 = vector.shape_cast %swap3A_480 : vector<1x1x16xf32> to vector<16xf32>
      %swap3A_482 = vector.shape_cast %select_n3A_475 : vector<16xf32> to vector<1x1x16xf32>
      tpu.vector_store %arg6[%swap3A_477, %swap3A_478, %swap3A_479], %swap3A_482 {strides = array<i32>} : memref<64x4x128xf32, #tpu.memory_space<vmem>>, vector<1x1x16xf32>,
      %iota3A_483 = tpu.iota {dimensions = array<i32: 0>} : vector<16xi32>
      %add3A_484 = arith.constant 64 : i32
      %add3A_485 = vector.broadcast %add3A_484 : i32 to vector<16xi32>
      %add3A_486 = arith.addi %iota3A_483, %add3A_485 : vector<16xi32>
      %get3A_487 = arith.constant 2 : i32
      %get3A_488 = arith.index_cast %scan3A_45 : i32 to index
      %get3A_489 = arith.index_cast %get3A_487 : i32 to index
      %get3A_490 = arith.constant 64 : index
      %get3A_491 = tpu.vector_load %arg6[%get3A_488, %get3A_489, %get3A_490] {strides = array<i32>} : memref<64x4x128xf32, #tpu.memory_space<vmem>>, vector<1x1x16xf32>,
      %get3A_492 = vector.shape_cast %get3A_491 : vector<1x1x16xf32> to vector<16xf32>
      %ge3A_493 = vector.broadcast %add3A_48 : i32 to vector<16xi32>
      %ge3A_494 = arith.cmpi sge, %add3A_486, %ge3A_493 : vector<16xi32>
      %jit3A_495 = arith.constant 0.000000e+00 : f32
      %broadcast_in_dim3A_496 = vector.broadcast %jit3A_495 : f32 to vector<16xf32>
      %select_n3A_497 = arith.select %ge3A_494, %get3A_492, %broadcast_in_dim3A_496 : vector<16xi1>, vector<16xf32>
      %swap3A_498 = arith.constant 2 : i32
      %swap3A_499 = arith.index_cast %scan3A_45 : i32 to index
      %swap3A_500 = arith.index_cast %swap3A_498 : i32 to index
      %swap3A_501 = arith.constant 64 : index
      %swap3A_502 = tpu.vector_load %arg6[%swap3A_499, %swap3A_500, %swap3A_501] {strides = array<i32>} : memref<64x4x128xf32, #tpu.memory_space<vmem>>, vector<1x1x16xf32>,
      %swap3A_503 = vector.shape_cast %swap3A_502 : vector<1x1x16xf32> to vector<16xf32>
      %swap3A_504 = vector.shape_cast %select_n3A_497 : vector<16xf32> to vector<1x1x16xf32>
      tpu.vector_store %arg6[%swap3A_499, %swap3A_500, %swap3A_501], %swap3A_504 {strides = array<i32>} : memref<64x4x128xf32, #tpu.memory_space<vmem>>, vector<1x1x16xf32>,
      %iota3A_505 = tpu.iota {dimensions = array<i32: 0>} : vector<16xi32>
      %add3A_506 = arith.constant 80 : i32
      %add3A_507 = vector.broadcast %add3A_506 : i32 to vector<16xi32>
      %add3A_508 = arith.addi %iota3A_505, %add3A_507 : vector<16xi32>
      %get3A_509 = arith.constant 2 : i32
      %get3A_510 = arith.index_cast %scan3A_45 : i32 to index
      %get3A_511 = arith.index_cast %get3A_509 : i32 to index
      %get3A_512 = arith.constant 80 : index
      %get3A_513 = tpu.vector_load %arg6[%get3A_510, %get3A_511, %get3A_512] {strides = array<i32>} : memref<64x4x128xf32, #tpu.memory_space<vmem>>, vector<1x1x16xf32>,
      %get3A_514 = vector.shape_cast %get3A_513 : vector<1x1x16xf32> to vector<16xf32>
      %ge3A_515 = vector.broadcast %add3A_48 : i32 to vector<16xi32>
      %ge3A_516 = arith.cmpi sge, %add3A_508, %ge3A_515 : vector<16xi32>
      %jit3A_517 = arith.constant 0.000000e+00 : f32
      %broadcast_in_dim3A_518 = vector.broadcast %jit3A_517 : f32 to vector<16xf32>
      %select_n3A_519 = arith.select %ge3A_516, %get3A_514, %broadcast_in_dim3A_518 : vector<16xi1>, vector<16xf32>
      %swap3A_520 = arith.constant 2 : i32
      %swap3A_521 = arith.index_cast %scan3A_45 : i32 to index
      %swap3A_522 = arith.index_cast %swap3A_520 : i32 to index
      %swap3A_523 = arith.constant 80 : index
      %swap3A_524 = tpu.vector_load %arg6[%swap3A_521, %swap3A_522, %swap3A_523] {strides = array<i32>} : memref<64x4x128xf32, #tpu.memory_space<vmem>>, vector<1x1x16xf32>,
      %swap3A_525 = vector.shape_cast %swap3A_524 : vector<1x1x16xf32> to vector<16xf32>
      %swap3A_526 = vector.shape_cast %select_n3A_519 : vector<16xf32> to vector<1x1x16xf32>
      tpu.vector_store %arg6[%swap3A_521, %swap3A_522, %swap3A_523], %swap3A_526 {strides = array<i32>} : memref<64x4x128xf32, #tpu.memory_space<vmem>>, vector<1x1x16xf32>,
      %iota3A_527 = tpu.iota {dimensions = array<i32: 0>} : vector<16xi32>
      %add3A_528 = arith.constant 96 : i32
      %add3A_529 = vector.broadcast %add3A_528 : i32 to vector<16xi32>
      %add3A_530 = arith.addi %iota3A_527, %add3A_529 : vector<16xi32>
      %get3A_531 = arith.constant 2 : i32
      %get3A_532 = arith.index_cast %scan3A_45 : i32 to index
      %get3A_533 = arith.index_cast %get3A_531 : i32 to index
      %get3A_534 = arith.constant 96 : index
      %get3A_535 = tpu.vector_load %arg6[%get3A_532, %get3A_533, %get3A_534] {strides = array<i32>} : memref<64x4x128xf32, #tpu.memory_space<vmem>>, vector<1x1x16xf32>,
      %get3A_536 = vector.shape_cast %get3A_535 : vector<1x1x16xf32> to vector<16xf32>
      %ge3A_537 = vector.broadcast %add3A_48 : i32 to vector<16xi32>
      %ge3A_538 = arith.cmpi sge, %add3A_530, %ge3A_537 : vector<16xi32>
      %jit3A_539 = arith.constant 0.000000e+00 : f32
      %broadcast_in_dim3A_540 = vector.broadcast %jit3A_539 : f32 to vector<16xf32>
      %select_n3A_541 = arith.select %ge3A_538, %get3A_536, %broadcast_in_dim3A_540 : vector<16xi1>, vector<16xf32>
      %swap3A_542 = arith.constant 2 : i32
      %swap3A_543 = arith.index_cast %scan3A_45 : i32 to index
      %swap3A_544 = arith.index_cast %swap3A_542 : i32 to index
      %swap3A_545 = arith.constant 96 : index
      %swap3A_546 = tpu.vector_load %arg6[%swap3A_543, %swap3A_544, %swap3A_545] {strides = array<i32>} : memref<64x4x128xf32, #tpu.memory_space<vmem>>, vector<1x1x16xf32>,
      %swap3A_547 = vector.shape_cast %swap3A_546 : vector<1x1x16xf32> to vector<16xf32>
      %swap3A_548 = vector.shape_cast %select_n3A_541 : vector<16xf32> to vector<1x1x16xf32>
      tpu.vector_store %arg6[%swap3A_543, %swap3A_544, %swap3A_545], %swap3A_548 {strides = array<i32>} : memref<64x4x128xf32, #tpu.memory_space<vmem>>, vector<1x1x16xf32>,
      %iota3A_549 = tpu.iota {dimensions = array<i32: 0>} : vector<16xi32>
      %add3A_550 = arith.constant 112 : i32
      %add3A_551 = vector.broadcast %add3A_550 : i32 to vector<16xi32>
      %add3A_552 = arith.addi %iota3A_549, %add3A_551 : vector<16xi32>
      %get3A_553 = arith.constant 2 : i32
      %get3A_554 = arith.index_cast %scan3A_45 : i32 to index
      %get3A_555 = arith.index_cast %get3A_553 : i32 to index
      %get3A_556 = arith.constant 112 : index
      %get3A_557 = tpu.vector_load %arg6[%get3A_554, %get3A_555, %get3A_556] {strides = array<i32>} : memref<64x4x128xf32, #tpu.memory_space<vmem>>, vector<1x1x16xf32>,
      %get3A_558 = vector.shape_cast %get3A_557 : vector<1x1x16xf32> to vector<16xf32>
      %ge3A_559 = vector.broadcast %add3A_48 : i32 to vector<16xi32>
      %ge3A_560 = arith.cmpi sge, %add3A_552, %ge3A_559 : vector<16xi32>
      %jit3A_561 = arith.constant 0.000000e+00 : f32
      %broadcast_in_dim3A_562 = vector.broadcast %jit3A_561 : f32 to vector<16xf32>
      %select_n3A_563 = arith.select %ge3A_560, %get3A_558, %broadcast_in_dim3A_562 : vector<16xi1>, vector<16xf32>
      %swap3A_564 = arith.constant 2 : i32
      %swap3A_565 = arith.index_cast %scan3A_45 : i32 to index
      %swap3A_566 = arith.index_cast %swap3A_564 : i32 to index
      %swap3A_567 = arith.constant 112 : index
      %swap3A_568 = tpu.vector_load %arg6[%swap3A_565, %swap3A_566, %swap3A_567] {strides = array<i32>} : memref<64x4x128xf32, #tpu.memory_space<vmem>>, vector<1x1x16xf32>,
      %swap3A_569 = vector.shape_cast %swap3A_568 : vector<1x1x16xf32> to vector<16xf32>
      %swap3A_570 = vector.shape_cast %select_n3A_563 : vector<16xf32> to vector<1x1x16xf32>
      tpu.vector_store %arg6[%swap3A_565, %swap3A_566, %swap3A_567], %swap3A_570 {strides = array<i32>} : memref<64x4x128xf32, #tpu.memory_space<vmem>>, vector<1x1x16xf32>,
      %iota3A_571 = tpu.iota {dimensions = array<i32: 0>} : vector<16xi32>
      %add3A_572 = arith.constant 0 : i32
      %add3A_573 = vector.broadcast %add3A_572 : i32 to vector<16xi32>
      %add3A_574 = arith.addi %iota3A_571, %add3A_573 : vector<16xi32>
      %get3A_575 = arith.constant 3 : i32
      %get3A_576 = arith.index_cast %scan3A_45 : i32 to index
      %get3A_577 = arith.index_cast %get3A_575 : i32 to index
      %get3A_578 = arith.constant 0 : index
      %get3A_579 = tpu.vector_load %arg6[%get3A_576, %get3A_577, %get3A_578] {strides = array<i32>} : memref<64x4x128xf32, #tpu.memory_space<vmem>>, vector<1x1x16xf32>,
      %get3A_580 = vector.shape_cast %get3A_579 : vector<1x1x16xf32> to vector<16xf32>
      %ge3A_581 = vector.broadcast %add3A_48 : i32 to vector<16xi32>
      %ge3A_582 = arith.cmpi sge, %add3A_574, %ge3A_581 : vector<16xi32>
      %jit3A_583 = arith.constant 0.000000e+00 : f32
      %broadcast_in_dim3A_584 = vector.broadcast %jit3A_583 : f32 to vector<16xf32>
      %select_n3A_585 = arith.select %ge3A_582, %get3A_580, %broadcast_in_dim3A_584 : vector<16xi1>, vector<16xf32>
      %swap3A_586 = arith.constant 3 : i32
      %swap3A_587 = arith.index_cast %scan3A_45 : i32 to index
      %swap3A_588 = arith.index_cast %swap3A_586 : i32 to index
      %swap3A_589 = arith.constant 0 : index
      %swap3A_590 = tpu.vector_load %arg6[%swap3A_587, %swap3A_588, %swap3A_589] {strides = array<i32>} : memref<64x4x128xf32, #tpu.memory_space<vmem>>, vector<1x1x16xf32>,
      %swap3A_591 = vector.shape_cast %swap3A_590 : vector<1x1x16xf32> to vector<16xf32>
      %swap3A_592 = vector.shape_cast %select_n3A_585 : vector<16xf32> to vector<1x1x16xf32>
      tpu.vector_store %arg6[%swap3A_587, %swap3A_588, %swap3A_589], %swap3A_592 {strides = array<i32>} : memref<64x4x128xf32, #tpu.memory_space<vmem>>, vector<1x1x16xf32>,
      %iota3A_593 = tpu.iota {dimensions = array<i32: 0>} : vector<16xi32>
      %add3A_594 = arith.constant 16 : i32
      %add3A_595 = vector.broadcast %add3A_594 : i32 to vector<16xi32>
      %add3A_596 = arith.addi %iota3A_593, %add3A_595 : vector<16xi32>
      %get3A_597 = arith.constant 3 : i32
      %get3A_598 = arith.index_cast %scan3A_45 : i32 to index
      %get3A_599 = arith.index_cast %get3A_597 : i32 to index
      %get3A_600 = arith.constant 16 : index
      %get3A_601 = tpu.vector_load %arg6[%get3A_598, %get3A_599, %get3A_600] {strides = array<i32>} : memref<64x4x128xf32, #tpu.memory_space<vmem>>, vector<1x1x16xf32>,
      %get3A_602 = vector.shape_cast %get3A_601 : vector<1x1x16xf32> to vector<16xf32>
      %ge3A_603 = vector.broadcast %add3A_48 : i32 to vector<16xi32>
      %ge3A_604 = arith.cmpi sge, %add3A_596, %ge3A_603 : vector<16xi32>
      %jit3A_605 = arith.constant 0.000000e+00 : f32
      %broadcast_in_dim3A_606 = vector.broadcast %jit3A_605 : f32 to vector<16xf32>
      %select_n3A_607 = arith.select %ge3A_604, %get3A_602, %broadcast_in_dim3A_606 : vector<16xi1>, vector<16xf32>
      %swap3A_608 = arith.constant 3 : i32
      %swap3A_609 = arith.index_cast %scan3A_45 : i32 to index
      %swap3A_610 = arith.index_cast %swap3A_608 : i32 to index
      %swap3A_611 = arith.constant 16 : index
      %swap3A_612 = tpu.vector_load %arg6[%swap3A_609, %swap3A_610, %swap3A_611] {strides = array<i32>} : memref<64x4x128xf32, #tpu.memory_space<vmem>>, vector<1x1x16xf32>,
      %swap3A_613 = vector.shape_cast %swap3A_612 : vector<1x1x16xf32> to vector<16xf32>
      %swap3A_614 = vector.shape_cast %select_n3A_607 : vector<16xf32> to vector<1x1x16xf32>
      tpu.vector_store %arg6[%swap3A_609, %swap3A_610, %swap3A_611], %swap3A_614 {strides = array<i32>} : memref<64x4x128xf32, #tpu.memory_space<vmem>>, vector<1x1x16xf32>,
      %iota3A_615 = tpu.iota {dimensions = array<i32: 0>} : vector<16xi32>
      %add3A_616 = arith.constant 32 : i32
      %add3A_617 = vector.broadcast %add3A_616 : i32 to vector<16xi32>
      %add3A_618 = arith.addi %iota3A_615, %add3A_617 : vector<16xi32>
      %get3A_619 = arith.constant 3 : i32
      %get3A_620 = arith.index_cast %scan3A_45 : i32 to index
      %get3A_621 = arith.index_cast %get3A_619 : i32 to index
      %get3A_622 = arith.constant 32 : index
      %get3A_623 = tpu.vector_load %arg6[%get3A_620, %get3A_621, %get3A_622] {strides = array<i32>} : memref<64x4x128xf32, #tpu.memory_space<vmem>>, vector<1x1x16xf32>,
      %get3A_624 = vector.shape_cast %get3A_623 : vector<1x1x16xf32> to vector<16xf32>
      %ge3A_625 = vector.broadcast %add3A_48 : i32 to vector<16xi32>
      %ge3A_626 = arith.cmpi sge, %add3A_618, %ge3A_625 : vector<16xi32>
      %jit3A_627 = arith.constant 0.000000e+00 : f32
      %broadcast_in_dim3A_628 = vector.broadcast %jit3A_627 : f32 to vector<16xf32>
      %select_n3A_629 = arith.select %ge3A_626, %get3A_624, %broadcast_in_dim3A_628 : vector<16xi1>, vector<16xf32>
      %swap3A_630 = arith.constant 3 : i32
      %swap3A_631 = arith.index_cast %scan3A_45 : i32 to index
      %swap3A_632 = arith.index_cast %swap3A_630 : i32 to index
      %swap3A_633 = arith.constant 32 : index
      %swap3A_634 = tpu.vector_load %arg6[%swap3A_631, %swap3A_632, %swap3A_633] {strides = array<i32>} : memref<64x4x128xf32, #tpu.memory_space<vmem>>, vector<1x1x16xf32>,
      %swap3A_635 = vector.shape_cast %swap3A_634 : vector<1x1x16xf32> to vector<16xf32>
      %swap3A_636 = vector.shape_cast %select_n3A_629 : vector<16xf32> to vector<1x1x16xf32>
      tpu.vector_store %arg6[%swap3A_631, %swap3A_632, %swap3A_633], %swap3A_636 {strides = array<i32>} : memref<64x4x128xf32, #tpu.memory_space<vmem>>, vector<1x1x16xf32>,
      %iota3A_637 = tpu.iota {dimensions = array<i32: 0>} : vector<16xi32>
      %add3A_638 = arith.constant 48 : i32
      %add3A_639 = vector.broadcast %add3A_638 : i32 to vector<16xi32>
      %add3A_640 = arith.addi %iota3A_637, %add3A_639 : vector<16xi32>
      %get3A_641 = arith.constant 3 : i32
      %get3A_642 = arith.index_cast %scan3A_45 : i32 to index
      %get3A_643 = arith.index_cast %get3A_641 : i32 to index
      %get3A_644 = arith.constant 48 : index
      %get3A_645 = tpu.vector_load %arg6[%get3A_642, %get3A_643, %get3A_644] {strides = array<i32>} : memref<64x4x128xf32, #tpu.memory_space<vmem>>, vector<1x1x16xf32>,
      %get3A_646 = vector.shape_cast %get3A_645 : vector<1x1x16xf32> to vector<16xf32>
      %ge3A_647 = vector.broadcast %add3A_48 : i32 to vector<16xi32>
      %ge3A_648 = arith.cmpi sge, %add3A_640, %ge3A_647 : vector<16xi32>
      %jit3A_649 = arith.constant 0.000000e+00 : f32
      %broadcast_in_dim3A_650 = vector.broadcast %jit3A_649 : f32 to vector<16xf32>
      %select_n3A_651 = arith.select %ge3A_648, %get3A_646, %broadcast_in_dim3A_650 : vector<16xi1>, vector<16xf32>
      %swap3A_652 = arith.constant 3 : i32
      %swap3A_653 = arith.index_cast %scan3A_45 : i32 to index
      %swap3A_654 = arith.index_cast %swap3A_652 : i32 to index
      %swap3A_655 = arith.constant 48 : index
      %swap3A_656 = tpu.vector_load %arg6[%swap3A_653, %swap3A_654, %swap3A_655] {strides = array<i32>} : memref<64x4x128xf32, #tpu.memory_space<vmem>>, vector<1x1x16xf32>,
      %swap3A_657 = vector.shape_cast %swap3A_656 : vector<1x1x16xf32> to vector<16xf32>
      %swap3A_658 = vector.shape_cast %select_n3A_651 : vector<16xf32> to vector<1x1x16xf32>
      tpu.vector_store %arg6[%swap3A_653, %swap3A_654, %swap3A_655], %swap3A_658 {strides = array<i32>} : memref<64x4x128xf32, #tpu.memory_space<vmem>>, vector<1x1x16xf32>,
      %iota3A_659 = tpu.iota {dimensions = array<i32: 0>} : vector<16xi32>
      %add3A_660 = arith.constant 64 : i32
      %add3A_661 = vector.broadcast %add3A_660 : i32 to vector<16xi32>
      %add3A_662 = arith.addi %iota3A_659, %add3A_661 : vector<16xi32>
      %get3A_663 = arith.constant 3 : i32
      %get3A_664 = arith.index_cast %scan3A_45 : i32 to index
      %get3A_665 = arith.index_cast %get3A_663 : i32 to index
      %get3A_666 = arith.constant 64 : index
      %get3A_667 = tpu.vector_load %arg6[%get3A_664, %get3A_665, %get3A_666] {strides = array<i32>} : memref<64x4x128xf32, #tpu.memory_space<vmem>>, vector<1x1x16xf32>,
      %get3A_668 = vector.shape_cast %get3A_667 : vector<1x1x16xf32> to vector<16xf32>
      %ge3A_669 = vector.broadcast %add3A_48 : i32 to vector<16xi32>
      %ge3A_670 = arith.cmpi sge, %add3A_662, %ge3A_669 : vector<16xi32>
      %jit3A_671 = arith.constant 0.000000e+00 : f32
      %broadcast_in_dim3A_672 = vector.broadcast %jit3A_671 : f32 to vector<16xf32>
      %select_n3A_673 = arith.select %ge3A_670, %get3A_668, %broadcast_in_dim3A_672 : vector<16xi1>, vector<16xf32>
      %swap3A_674 = arith.constant 3 : i32
      %swap3A_675 = arith.index_cast %scan3A_45 : i32 to index
      %swap3A_676 = arith.index_cast %swap3A_674 : i32 to index
      %swap3A_677 = arith.constant 64 : index
      %swap3A_678 = tpu.vector_load %arg6[%swap3A_675, %swap3A_676, %swap3A_677] {strides = array<i32>} : memref<64x4x128xf32, #tpu.memory_space<vmem>>, vector<1x1x16xf32>,
      %swap3A_679 = vector.shape_cast %swap3A_678 : vector<1x1x16xf32> to vector<16xf32>
      %swap3A_680 = vector.shape_cast %select_n3A_673 : vector<16xf32> to vector<1x1x16xf32>
      tpu.vector_store %arg6[%swap3A_675, %swap3A_676, %swap3A_677], %swap3A_680 {strides = array<i32>} : memref<64x4x128xf32, #tpu.memory_space<vmem>>, vector<1x1x16xf32>,
      %iota3A_681 = tpu.iota {dimensions = array<i32: 0>} : vector<16xi32>
      %add3A_682 = arith.constant 80 : i32
      %add3A_683 = vector.broadcast %add3A_682 : i32 to vector<16xi32>
      %add3A_684 = arith.addi %iota3A_681, %add3A_683 : vector<16xi32>
      %get3A_685 = arith.constant 3 : i32
      %get3A_686 = arith.index_cast %scan3A_45 : i32 to index
      %get3A_687 = arith.index_cast %get3A_685 : i32 to index
      %get3A_688 = arith.constant 80 : index
      %get3A_689 = tpu.vector_load %arg6[%get3A_686, %get3A_687, %get3A_688] {strides = array<i32>} : memref<64x4x128xf32, #tpu.memory_space<vmem>>, vector<1x1x16xf32>,
      %get3A_690 = vector.shape_cast %get3A_689 : vector<1x1x16xf32> to vector<16xf32>
      %ge3A_691 = vector.broadcast %add3A_48 : i32 to vector<16xi32>
      %ge3A_692 = arith.cmpi sge, %add3A_684, %ge3A_691 : vector<16xi32>
      %jit3A_693 = arith.constant 0.000000e+00 : f32
      %broadcast_in_dim3A_694 = vector.broadcast %jit3A_693 : f32 to vector<16xf32>
      %select_n3A_695 = arith.select %ge3A_692, %get3A_690, %broadcast_in_dim3A_694 : vector<16xi1>, vector<16xf32>
      %swap3A_696 = arith.constant 3 : i32
      %swap3A_697 = arith.index_cast %scan3A_45 : i32 to index
      %swap3A_698 = arith.index_cast %swap3A_696 : i32 to index
      %swap3A_699 = arith.constant 80 : index
      %swap3A_700 = tpu.vector_load %arg6[%swap3A_697, %swap3A_698, %swap3A_699] {strides = array<i32>} : memref<64x4x128xf32, #tpu.memory_space<vmem>>, vector<1x1x16xf32>,
      %swap3A_701 = vector.shape_cast %swap3A_700 : vector<1x1x16xf32> to vector<16xf32>
      %swap3A_702 = vector.shape_cast %select_n3A_695 : vector<16xf32> to vector<1x1x16xf32>
      tpu.vector_store %arg6[%swap3A_697, %swap3A_698, %swap3A_699], %swap3A_702 {strides = array<i32>} : memref<64x4x128xf32, #tpu.memory_space<vmem>>, vector<1x1x16xf32>,
      %iota3A_703 = tpu.iota {dimensions = array<i32: 0>} : vector<16xi32>
      %add3A_704 = arith.constant 96 : i32
      %add3A_705 = vector.broadcast %add3A_704 : i32 to vector<16xi32>
      %add3A_706 = arith.addi %iota3A_703, %add3A_705 : vector<16xi32>
      %get3A_707 = arith.constant 3 : i32
      %get3A_708 = arith.index_cast %scan3A_45 : i32 to index
      %get3A_709 = arith.index_cast %get3A_707 : i32 to index
      %get3A_710 = arith.constant 96 : index
      %get3A_711 = tpu.vector_load %arg6[%get3A_708, %get3A_709, %get3A_710] {strides = array<i32>} : memref<64x4x128xf32, #tpu.memory_space<vmem>>, vector<1x1x16xf32>,
      %get3A_712 = vector.shape_cast %get3A_711 : vector<1x1x16xf32> to vector<16xf32>
      %ge3A_713 = vector.broadcast %add3A_48 : i32 to vector<16xi32>
      %ge3A_714 = arith.cmpi sge, %add3A_706, %ge3A_713 : vector<16xi32>
      %jit3A_715 = arith.constant 0.000000e+00 : f32
      %broadcast_in_dim3A_716 = vector.broadcast %jit3A_715 : f32 to vector<16xf32>
      %select_n3A_717 = arith.select %ge3A_714, %get3A_712, %broadcast_in_dim3A_716 : vector<16xi1>, vector<16xf32>
      %swap3A_718 = arith.constant 3 : i32
      %swap3A_719 = arith.index_cast %scan3A_45 : i32 to index
      %swap3A_720 = arith.index_cast %swap3A_718 : i32 to index
      %swap3A_721 = arith.constant 96 : index
      %swap3A_722 = tpu.vector_load %arg6[%swap3A_719, %swap3A_720, %swap3A_721] {strides = array<i32>} : memref<64x4x128xf32, #tpu.memory_space<vmem>>, vector<1x1x16xf32>,
      %swap3A_723 = vector.shape_cast %swap3A_722 : vector<1x1x16xf32> to vector<16xf32>
      %swap3A_724 = vector.shape_cast %select_n3A_717 : vector<16xf32> to vector<1x1x16xf32>
      tpu.vector_store %arg6[%swap3A_719, %swap3A_720, %swap3A_721], %swap3A_724 {strides = array<i32>} : memref<64x4x128xf32, #tpu.memory_space<vmem>>, vector<1x1x16xf32>,
      %iota3A_725 = tpu.iota {dimensions = array<i32: 0>} : vector<16xi32>
      %add3A_726 = arith.constant 112 : i32
      %add3A_727 = vector.broadcast %add3A_726 : i32 to vector<16xi32>
      %add3A_728 = arith.addi %iota3A_725, %add3A_727 : vector<16xi32>
      %get3A_729 = arith.constant 3 : i32
      %get3A_730 = arith.index_cast %scan3A_45 : i32 to index
      %get3A_731 = arith.index_cast %get3A_729 : i32 to index
      %get3A_732 = arith.constant 112 : index
      %get3A_733 = tpu.vector_load %arg6[%get3A_730, %get3A_731, %get3A_732] {strides = array<i32>} : memref<64x4x128xf32, #tpu.memory_space<vmem>>, vector<1x1x16xf32>,
      %get3A_734 = vector.shape_cast %get3A_733 : vector<1x1x16xf32> to vector<16xf32>
      %ge3A_735 = vector.broadcast %add3A_48 : i32 to vector<16xi32>
      %ge3A_736 = arith.cmpi sge, %add3A_728, %ge3A_735 : vector<16xi32>
      %jit3A_737 = arith.constant 0.000000e+00 : f32
      %broadcast_in_dim3A_738 = vector.broadcast %jit3A_737 : f32 to vector<16xf32>
      %select_n3A_739 = arith.select %ge3A_736, %get3A_734, %broadcast_in_dim3A_738 : vector<16xi1>, vector<16xf32>
      %swap3A_740 = arith.constant 3 : i32
      %swap3A_741 = arith.index_cast %scan3A_45 : i32 to index
      %swap3A_742 = arith.index_cast %swap3A_740 : i32 to index
      %swap3A_743 = arith.constant 112 : index
      %swap3A_744 = tpu.vector_load %arg6[%swap3A_741, %swap3A_742, %swap3A_743] {strides = array<i32>} : memref<64x4x128xf32, #tpu.memory_space<vmem>>, vector<1x1x16xf32>,
      %swap3A_745 = vector.shape_cast %swap3A_744 : vector<1x1x16xf32> to vector<16xf32>
      %swap3A_746 = vector.shape_cast %select_n3A_739 : vector<16xf32> to vector<1x1x16xf32>
      tpu.vector_store %arg6[%swap3A_741, %swap3A_742, %swap3A_743], %swap3A_746 {strides = array<i32>} : memref<64x4x128xf32, #tpu.memory_space<vmem>>, vector<1x1x16xf32>,
    }
    %scan3A_42 = arith.constant 64 : i32
    %mul3A_43 = arith.constant 4 : i32
    %mul3A_44 = arith.muli %mul3A_43, %shift_right_arithmetic3A_1 : i32
    "tpu.region"() ({
      %run_scoped3A = tpu.sem_alloc : memref<!tpu.dma_semaphore, #tpu.memory_space<semaphore_mem>>
      %dma_start3A = arith.constant 0 : i32
      %dma_start3A_45 = tpu.memref_slice %arg3[%add3A_7, %mul3A_44, %dma_start3A] : memref<2048x64x128xf32, #tpu.memory_space<hbm>> -> memref<64x4x128xf32, #tpu.memory_space<hbm>>
      %dma_start3A_46 = arith.constant 0 : i32
      %dma_start3A_47 = tpu.memref_slice %arg3[%add3A_7, %mul3A_44, %dma_start3A_46] : memref<2048x64x128xf32, #tpu.memory_space<hbm>> -> memref<64x4x128xf32, #tpu.memory_space<hbm>>
      tpu.enqueue_dma source(%arg6 : memref<64x4x128xf32, #tpu.memory_space<vmem>>) target(%dma_start3A_47 : memref<64x4x128xf32, #tpu.memory_space<hbm>>) target_semaphore(%run_scoped3A : memref<!tpu.dma_semaphore, #tpu.memory_space<semaphore_mem>>)
      %dma_wait3A = arith.constant 0 : i32
      %dma_wait3A_48 = tpu.memref_slice %arg3[%add3A_7, %mul3A_44, %dma_wait3A] : memref<2048x64x128xf32, #tpu.memory_space<hbm>> -> memref<64x4x128xf32, #tpu.memory_space<hbm>>
      %dma_wait3A_49 = arith.constant 0 : i32
      %dma_wait3A_50 = tpu.memref_slice %arg3[%add3A_7, %mul3A_44, %dma_wait3A_49] : memref<2048x64x128xf32, #tpu.memory_space<hbm>> -> memref<64x4x128xf32, #tpu.memory_space<hbm>>
      tpu.wait_dma2 semaphore(%run_scoped3A : memref<!tpu.dma_semaphore, #tpu.memory_space<semaphore_mem>>) src(%arg6 : memref<64x4x128xf32, #tpu.memory_space<vmem>>) dst(%dma_wait3A_50 : memref<64x4x128xf32, #tpu.memory_space<hbm>>)
      tpu.yield
    }) : () -> ()
    return
  }
}

</mosaic_0001>

<sc_bundles>
// kernel: kernel.3.cloned.1.call-start
scs
__scs_entry_jumppad:
0x0: {  	(pc) =	sbr.rel $0x88, $3  }
0x1: {  	(tag) =	ssettag $0x0;
	lr =	simm.s32 $0x1  }
0x2: {  	[smem:$0x3FA0] =	sst lr;
	_ =	strace $0xD0000000  }
0x3: {  	_ = 	snop  }
0x4: {  	_ = 	snop  }
0x5: {  	_ = 	snop  }
0x6: {  	_ = 	snop  }
0x7: {  	_ = 	snop  }
__scs_overlays_trampoline_lowered:
0x8: {  	[smem:$0x3FAF] =	sst s0  }
0x9: {  	[smem:$0x3FB0] =	sst s1  }
0xa: {  	[smem:$0x3FB1] =	sst s2  }
0xb: {  	[smem:$0x3FB2] =	sst s3  }
0xc: {  	[smem:$0x3FB3] =	sst s4  }
0xd: {  	[smem:$0x3FB4] =	sst s5  }
0xe: {  	[smem:$0x3FB5] =	sst s6  }
0xf: {  	[smem:$0x3FB6] =	sst s7  }
0x10: {  	[smem:$0x3FB7] =	sst s8  }
0x11: {  	[smem:$0x3FB8] =	sst s9;
	s0 =	simm.s32 @!p0 $0x0  }
0x12: {  	s1 =	sld [smem:$0x3F9E];
	s0 =	simm.s32 @p0 $0x1  }
0x13: {  	[smem:$0x3FB9] =	sst s0;
	s0 =	simm.s32 @!p1 $0x0  }
0x14: {  	s2 =	sld [smem:$0x3F9D];
	s0 =	simm.s32 @p1 $0x1  }
0x15: {  	[smem:$0x3FBA] =	sst s0;
	s0 =	simm.s32 @!p2 $0x0  }
0x16: {  	s3 =	sld [smem:$0x3FDB];
	s0 =	simm.s32 @p2 $0x1  }
0x17: {  	s4 =	simm.s32 $0x1BF5;
	[smem:$0x3FBC] =	sst s0  }
0x18: {  	s0 =	sld [smem:$0x3F9F];
	_ =	swait.ge [sflag:s4], $0x0  }
0x19: {  	s7 =	sld [smem:$0x3FA0]  }
0x1a: {  	s8 =	sadd.s32 $0xFFFFE003, lr  }
0x1b: {  	s9 =	sadd.s32 $0xFFFFFEF7, lr;
	s5 =	simm.s32 $0xFFFFFFFF;
	p2 =	slt.u32 s8, $0xFFFFF086  }
0x1c: {  	p1 =	slt.u32 s9, $0xF7A;
	s5 =	simm.s32 @!p2 $0x0  }
0x1d: {  	s5 =	simm.s32 @p1 $0x1;
	p0 =	seq.s32 s7, s2  }
0x1e: {  	s7 =	smul.u32 @!p0 $0xF7A, s2;
	p2 =	seq.s32 @!p0 s5, $0x0  }
0x1f: {  	s9 =	smul.u32 $0xF7A, s1;
	s8 =	simm.s32 @!p0 $0x1BF5;
	p2 =	por !p2, p0  }
0x20: {  	[sflag:s8] =	ssyncset.s32 @!p0 $0xFFFFF086;
	s6 =	sadd.s32 @!p0 s3, s7;
	s7 =	simm.s32 @!p0 $0x108  }
0x21: {  	s3 =	sadd.s32 s3, s9;
	s6 =	sadd.s32 @!p0 $0x88, s6;
	s7 =	simm.s32 @p2 $0x1082  }
0x22: {  	[simem:s7], [sflag:s8] =	dma.local @!p0 [hbm:s6], $0xF7A  }
0x23: {  	s9 =	sor.u32 $0xD0000000, s2;
	s6 =	simm.s32 $0x108;
	_ =	swait.ge @!p0 [sflag:s8], $0x0  }
0x24: {  	s3 =	sadd.s32 $0x88, s3;
	s6 =	simm.s32 @!p1 $0x1082;
	[sflag:s4] =	ssyncset.s32 $0xFFFFF086  }
0x25: {  	[simem:s6], [sflag:s4] =	dma.local [hbm:s3], $0xF7A  }
0x26: {  	[smem:$0x3FA0] =	sst s1;
	(tag) =	ssettag s2;
	_ =	strace s9  }
0x27: {  	s1 =	sld [smem:$0x3FB0]  }
0x28: {  	s2 =	sld [smem:$0x3FB1]  }
0x29: {  	s4 =	sld [smem:$0x3FB3]  }
0x2a: {  	p0 =	seq.s32 s5, $0x0;
	s5 =	sld [smem:$0x3FB4]  }
0x2b: {  	s6 =	sld [smem:$0x3FB5]  }
0x2c: {  	s7 =	sld [smem:$0x3FB6]  }
0x2d: {  	s3 =	simm.s32 $0x108;
	s8 =	sld [smem:$0x3FB7]  }
0x2e: {  	s3 =	simm.s32 @!p0 $0x1082;
	s9 =	sld [smem:$0x3FB8]  }
0x2f: {  	lr =	sadd.s32 s0, s3;
	s0 =	sld [smem:$0x3FAF]  }
0x30: {  	s3 =	sld [smem:$0x3FB2]  }
0x31: {  	[smem:$0x3FBB] =	sst s10  }
0x32: {  	s10 =	sld [smem:$0x3FB9];
	_ =	sdelay $0x3  }
0x33: {  	p0 =	seq.s32 s10, $0x1;
	s10 =	sld [smem:$0x3FBB];
	_ =	sdelay $0x3  }
0x34: {  	[smem:$0x3FBB] =	sst s10  }
0x35: {  	s10 =	sld [smem:$0x3FBA];
	_ =	sdelay $0x3  }
0x36: {  	p1 =	seq.s32 s10, $0x1;
	s10 =	sld [smem:$0x3FBB];
	_ =	sdelay $0x3  }
0x37: {  	[smem:$0x3FBB] =	sst s10  }
0x38: {  	s10 =	sld [smem:$0x3FBC]  }
0x39: {  	_ = 	snop;
	(pc) =	sbr.ind lr, $3  }
0x3a: {  	_ = 	snop  }
0x3b: {  	_ = 	snop  }
0x3c: {  	p2 =	seq.s32 s10, $0x1;
	s10 =	sld [smem:$0x3FBB]  }
0x3d: {  	_ =	shalt  }
0x3e: {  	_ =	shalt  }
0x3f: {  	_ =	shalt  }
0x40: {  	_ =	shalt  }
0x41: {  	_ =	shalt  }
0x42: {  	_ =	shalt  }
0x43: {  	_ =	shalt  }
0x44: {  	_ =	shalt  }
0x45: {  	_ =	shalt  }
0x46: {  	_ =	shalt  }
0x47: {  	_ =	shalt  }
0x48: {  	_ =	shalt  }
0x49: {  	_ =	shalt  }
0x4a: {  	_ =	shalt  }
0x4b: {  	_ =	shalt  }
0x4c: {  	_ =	shalt  }
0x4d: {  	_ =	shalt  }
0x4e: {  	_ =	shalt  }
0x4f: {  	_ =	shalt  }
0x50: {  	_ =	shalt  }
0x51: {  	_ =	shalt  }
0x52: {  	_ =	shalt  }
0x53: {  	_ =	shalt  }
0x54: {  	_ =	shalt  }
0x55: {  	_ =	shalt  }
0x56: {  	_ =	shalt  }
0x57: {  	_ =	shalt  }
0x58: {  	_ =	shalt  }
0x59: {  	_ =	shalt  }
0x5a: {  	_ =	shalt  }
0x5b: {  	_ =	shalt  }
0x5c: {  	_ =	shalt  }
0x5d: {  	_ =	shalt  }
0x5e: {  	_ =	shalt  }
0x5f: {  	_ =	shalt  }
0x60: {  	_ =	shalt  }
0x61: {  	_ =	shalt  }
0x62: {  	_ =	shalt  }
0x63: {  	_ =	shalt  }
0x64: {  	_ =	shalt  }
0x65: {  	_ =	shalt  }
0x66: {  	_ =	shalt  }
0x67: {  	_ =	shalt  }
0x68: {  	_ =	shalt  }
0x69: {  	_ =	shalt  }
0x6a: {  	_ =	shalt  }
0x6b: {  	_ =	shalt  }
0x6c: {  	_ =	shalt  }
0x6d: {  	_ =	shalt  }
0x6e: {  	_ =	shalt  }
0x6f: {  	_ =	shalt  }
0x70: {  	_ =	shalt  }
0x71: {  	_ =	shalt  }
0x72: {  	_ =	shalt  }
0x73: {  	_ =	shalt  }
0x74: {  	_ =	shalt  }
0x75: {  	_ =	shalt  }
0x76: {  	_ =	shalt  }
0x77: {  	_ =	shalt  }
0x78: {  	_ =	shalt  }
0x79: {  	_ =	shalt  }
0x7a: {  	_ =	shalt  }
0x7b: {  	_ =	shalt  }
0x7c: {  	_ =	shalt  }
0x7d: {  	_ =	shalt  }
0x7e: {  	_ =	shalt  }
0x7f: {  	_ =	shalt  }
0x80: {  	_ =	shalt  }
0x81: {  	_ =	shalt  }
0x82: {  	_ =	shalt  }
0x83: {  	_ =	shalt  }
0x84: {  	_ =	shalt  }
0x85: {  	_ =	shalt  }
0x86: {  	_ =	shalt  }
0x87: {  	_ =	shalt  }
.Lfunc_end0:
.L_simem_size_0:
called_computation_lowered:
.L_overlay_start_0:
0x88: {  	s2 =	sld [smem:$0x3FD9]  }
0x89: {  	s3 =	sld [smem:$0x3FFE];
	_ =	sdelay $0x1  }
0x8a: {  	s1 =	srdreg.scid  }
0x8b: {  	s0 =	sand.u32 $0x1, s1  }
0x8c: {  	s18 =	sshll.u32 s0, $0xA;
	s2 =	sadd.s32 s3, s2  }
0x8d: {  	s2 =	sadd.s32 s2, s18  }
0x8e: {  	[smem:$0x3FC7] =	sst s2  }
0x8f: {  	_ = 	snop  }
0x90: {  	s2 =	sld [smem:$0x3FC9]  }
0x91: {  	s19 =	sld [smem:$0x3FD0];
	(tm) =	ssettm $0x1  }
0x92: {  	s4 =	sld [smem:$0x3FFB];
	_ =	sdelay $0x3  }
0x93: {  	_ =	strace s4  }
0x94: {  	s4 =	sld [smem:$0x3FFC];
	_ =	sdelay $0x3  }
0x95: {  	_ =	strace s4  }
0x96: {  	s4 =	sld [smem:$0x3FFD];
	_ =	sdelay $0x3  }
0x97: {  	_ =	strace s4  }
0x98: {  	_ =	strace $0x8FFFFFFF  }
0x99: {  	s20 =	sld [smem:$0x3FDB];
	_ =	sdelay $0x1  }
0x9a: {  	s5 =	simm.s32 $_scs_section_size  }
0x9b: {  	s6 =	simm.s32 $_size__tile_overlayer_lowered;
	s7 =	simm.s32 $_tile_overlayer_lowered  }
0x9c: {  	s23 =	simm.s32 $0x1BFF;
	s22 =	sshll.u32 s7, $0x1;
	s4 =	sadd.s32 s5, s20  }
0x9d: {  	s8 =	simm.s32 $0x0;
	s21 =	sshll.u32 s6, $0x1;
	s6 =	sadd.s32 s22, s4  }
0x9e: {  	[timem:s8], [sflag:s23] =	dma.local [hbm:s6], s21  }
0x9f: {  	_ =	swait.ge [sflag:s23], s21  }
0xa0: {  	s5 =	ssub.s32 $0x0, s21;
	[sflag:s23] =	ssyncset.done $0x0  }
0xa1: {  	[sflag:s23] =	ssyncadd.s32 s5;
	_ =	sdelay $0x1  }
0xa2: {  	s24 =	simm.s32 $0x1B8B  }
0xa3: {  	_ =	swait.ge [sflag:s24], $0x1  }
0xa4: {  	[sflag:s24] =	ssyncset.done $0x0  }
0xa5: {  	s25 =	simm.s32 $0x1B8E;
	[sflag:s24] =	ssyncadd.s32 $0xFFFFFFFF  }
0xa6: {  	s26 =	simm.s32 $execute0_lowered;
	[smem:$0x3FD2] =	sst s25  }
0xa7: {  	s5 =	sshll.u32 s26, $0x1;
	_ =	strace $0x80000046;
	[dreg:$0x1] =	wrdreg $0xFFFFFFFF  }
0xa8: {  	s28 =	simm.s32 $_size_execute0_lowered;
	s4 =	sadd.s32 s4, s5;
	[dreg:$0x0] =	wrdreg $0x0  }
0xa9: {  	s5 =	sshll.u32 s28, $0x1;
	[dreg:$0x2] =	wrdreg s4  }
0xaa: {  	[dreg:$0x3] =	wrdreg s5  }
0xab: {  	[dreg:$0x4] =	wrdreg $0xC0  }
0xac: {  	_ =	task [dreg:s8], $0x5FFFF  }
0xad: {  	[dreg:$0x1] =	wrdreg $0xFFFFFFFF  }
0xae: {  	[dreg:$0x0] =	wrdreg $0x60  }
0xaf: {  	[dreg:$0x2] =	wrdreg s2  }
0xb0: {  	[dreg:$0x3] =	wrdreg s19  }
0xb1: {  	[dreg:$0x4] =	wrdreg $0x9  }
0xb2: {  	_ =	task.clear_ibuf [dreg:s8], $0x5FFFF;
	_ =	strace $0x90000046  }
0xb3: {  	s29 =	simm.s32 $0x9;
	_ =	strace $0x80000048  }
0xb4: {  	_ =	swait.ge [sflag:s29], $0x1  }
0xb5: {  	[sflag:s29] =	ssyncadd.s32 $0xFFFFFFFF  }
0xb6: {  	_ =	strace $0x90000048  }
0xb7: {  	_ =	sfence  }
0xb8: {  	s30 =	sld [smem:$0x0];
	_ =	sdelay $0x2  }
0xb9: {  	s31 =	sshll.u32 s1, $0xD;
	s1 =	sshrl.u32 s1, $0x2  }
0xba: {  	s3 =	sand.u32 $0x4000, s31;
	s1 =	sadd.s32 s1, s30  }
0xbb: {  	s0 =	sor.u32 s3, s0;
	s1 =	sshll.u32 s1, $0x11  }
0xbc: {  	s0 =	sor.u32 s1, s0  }
0xbd: {  	s0 =	sadd.s32 $0x8F2B, s0  }
0xbe: {  	[sflag:s0] =	ssyncadd.remote.s32 $0x1  }
0xbf: {  	_ =	sfence.sel $0xFFFF  }
0xc0: {  	[dreg:$0x0] =	wrdreg $0xFFFFFFFF;
	(pc) =	sbr.abs _section_cstart, $3  }
0xc1: {  	[dreg:$0x1] =	wrdreg $0xFFFFFFFF  }
0xc2: {  	_ =	task.clear_ibuf [dreg:s8], $0x2FFFF;
	_ =	strace $0x9FFFFFFF  }
0xc3: {  	(tm) =	ssettm $0x7FFFFFFF  }
tec
execute0_lowered:
.L_overlay_start_1:
0x0: {  	(tag) =	ssettag $0x1  }
0x1: {  	s10 =	rddreg [dreg:$0x0]  }
0x2: {  	s2 =	rddreg [dreg:$0x1];
	s3 =	srdreg.scid  }
0x3: {  	s0 =	rddreg [dreg:$0x2];
	s1 =	stileid.u32;
	s16 =	simm.s32 $0x1  }
0x4: {  	s17 =	simm.s32 $0x10000;
	s18 =	simm.s32 $0x0;
	s11 =	sand.u32 $0x1, s3  }
0x5: {  	s3 =	simm.s32 $0x0;
	s5 =	sshll.u32 s1, $0x7;
	s9 =	sshll.u32 s1, $0x6  }
0x6: {  	s13 =	smul.u32 $0x20040, s1;
	s28 =	smax.u32 s1, $0xE;
	p0 =	seq.s32 s1, $0x0  }
0x7: {  	p1 =	seq.s32 s1, $0xF;
	s4 =	sshll.u32 s11, $0x6;
	[smem:$0x7FF] =	sst s3  }
0x8: {  	s6 =	ssub.s32 $0x2, s11;
	s15 =	sshll.u32 s11, $0x10;
	s29 =	ssub.s32 s28, s1  }
0x9: {  	s5 =	sor.u32 s4, s5;
	s7 =	sshrl.u32 s6, $0x1;
	_ =	strace $0x80000047  }
0xa: {  	s14 =	sadd.s32 s13, s2;
	s13 =	sadd.s32 s13, s10;
	s8 =	sshll.u32 s5, $0xA  }
0xb: {  	s12 =	ssub.s32 s6, s7;
	s5 =	sshll.u32 s5, $0xD;
	s30 =	sadd.s32 s15, s14  }
0xc: {  	v8 =	vlaneseq.u32;
	s31 =	sadd.s32 s15, s13;
	s13 =	simm.s32 $0x200;
	s14 =	simm.s32 $0x2000  }
0xd: {  	v0 =	vimm.f32 $0.0e+00;
	v1 =	vadd.s32 $0x1, v8;
	v2 =	vadd.s32 $0x11, v8;
	s15 =	simm.s32 $0x8000;
	s26 =	sor.u32 s9, s8;
	s8 =	smax.u32 s12, $0x1  }
0xe: {  	v3 =	vadd.s32 $0x21, v8;
	v4 =	vadd.s32 $0x31, v8;
	v5 =	vadd.s32 $0x41, v8;
	s9 =	sshll.u32 s1, $0x9;
	s11 =	sadd.s32 $0x40, s30;
	s12 =	sadd.s32 $0x40, s31  }
0xf: {  	v6 =	vadd.s32 $0x51, v8;
	v7 =	vadd.s32 $0x61, v8;
	v8 =	vadd.s32 $0x71, v8;
	s6 =	sadd.s32 s10, s26;
	s7 =	sadd.s32 s2, s26;
	s10 =	sadd.s32 $0x1, s29  }
.LBB2_1:
0x10: {  	s19 =	simm.s32 $0x0;
	s20 =	simm.s32 $0x800  }
.LBB2_2:
0x11: {  	p2 =	seq.s32 s20, $0x1F800;
	[tilespmem:s19+$0x1F0] =	vst v0  }
0x12: {  	[tilespmem:s19+$0x0] =	vst v0  }
0x13: {  	[tilespmem:s19+$0x10] =	vst v0  }
0x14: {  	[tilespmem:s19+$0x20] =	vst v0  }
0x15: {  	[tilespmem:s19+$0x30] =	vst v0  }
0x16: {  	[tilespmem:s19+$0x40] =	vst v0  }
0x17: {  	[tilespmem:s19+$0x50] =	vst v0  }
0x18: {  	[tilespmem:s19+$0x60] =	vst v0  }
0x19: {  	[tilespmem:s19+$0x70] =	vst v0  }
0x1a: {  	[tilespmem:s19+$0x80] =	vst v0  }
0x1b: {  	[tilespmem:s19+$0x90] =	vst v0  }
0x1c: {  	[tilespmem:s19+$0xA0] =	vst v0  }
0x1d: {  	[tilespmem:s19+$0xB0] =	vst v0  }
0x1e: {  	[tilespmem:s19+$0xC0] =	vst v0  }
0x1f: {  	[tilespmem:s19+$0xD0] =	vst v0  }
0x20: {  	[tilespmem:s19+$0xE0] =	vst v0  }
0x21: {  	[tilespmem:s19+$0xF0] =	vst v0  }
0x22: {  	[tilespmem:s19+$0x100] =	vst v0  }
0x23: {  	[tilespmem:s19+$0x110] =	vst v0  }
0x24: {  	[tilespmem:s19+$0x120] =	vst v0  }
0x25: {  	[tilespmem:s19+$0x130] =	vst v0  }
0x26: {  	[tilespmem:s19+$0x140] =	vst v0  }
0x27: {  	[tilespmem:s19+$0x150] =	vst v0  }
0x28: {  	[tilespmem:s19+$0x160] =	vst v0  }
0x29: {  	[tilespmem:s19+$0x170] =	vst v0  }
0x2a: {  	[tilespmem:s19+$0x180] =	vst v0  }
0x2b: {  	[tilespmem:s19+$0x190] =	vst v0  }
.Ltmp0:
0x2c: {  	[tilespmem:s19+$0x1A0] =	vst v0;
	(pc) =	sbr.rel @!p2 .LBB2_2-.Ltmp0, $4  }
0x2d: {  	[tilespmem:s19+$0x1B0] =	vst v0  }
0x2e: {  	[tilespmem:s19+$0x1C0] =	vst v0  }
0x2f: {  	[tilespmem:s19+$0x1D0] =	vst v0  }
0x30: {  	[tilespmem:s19+$0x1E0] =	vst v0;
	s19 =	sshra.s32 s20, $0x2;
	s20 =	sadd.s32 $0x800, s20  }
0x31: {  	[tilespmem:s19+$0x1F0] =	vst v0  }
0x32: {  	[tilespmem:s19+$0x0] =	vst v0  }
0x33: {  	[tilespmem:s19+$0x10] =	vst v0  }
0x34: {  	[tilespmem:s19+$0x20] =	vst v0  }
0x35: {  	[tilespmem:s19+$0x30] =	vst v0  }
0x36: {  	[tilespmem:s19+$0x40] =	vst v0  }
0x37: {  	[tilespmem:s19+$0x50] =	vst v0  }
0x38: {  	[tilespmem:s19+$0x60] =	vst v0  }
0x39: {  	[tilespmem:s19+$0x70] =	vst v0  }
0x3a: {  	[tilespmem:s19+$0x80] =	vst v0  }
0x3b: {  	[tilespmem:s19+$0x90] =	vst v0  }
0x3c: {  	[tilespmem:s19+$0xA0] =	vst v0  }
0x3d: {  	[tilespmem:s19+$0xB0] =	vst v0  }
0x3e: {  	[tilespmem:s19+$0xC0] =	vst v0  }
0x3f: {  	[tilespmem:s19+$0xD0] =	vst v0  }
0x40: {  	[tilespmem:s19+$0xE0] =	vst v0  }
0x41: {  	[tilespmem:s19+$0xF0] =	vst v0  }
0x42: {  	[tilespmem:s19+$0x100] =	vst v0  }
0x43: {  	[tilespmem:s19+$0x110] =	vst v0  }
0x44: {  	[tilespmem:s19+$0x120] =	vst v0  }
0x45: {  	[tilespmem:s19+$0x130] =	vst v0  }
0x46: {  	[tilespmem:s19+$0x140] =	vst v0  }
0x47: {  	[tilespmem:s19+$0x150] =	vst v0  }
0x48: {  	[tilespmem:s19+$0x160] =	vst v0  }
0x49: {  	[tilespmem:s19+$0x170] =	vst v0  }
0x4a: {  	[tilespmem:s19+$0x180] =	vst v0  }
0x4b: {  	[tilespmem:s19+$0x190] =	vst v0  }
.Ltmp1:
0x4c: {  	[tilespmem:s19+$0x1A0] =	vst v0;
	(pc) =	sbr.rel @p0 .LBB2_8-.Ltmp1, $4  }
0x4d: {  	[tilespmem:s19+$0x1B0] =	vst v0  }
0x4e: {  	[tilespmem:s19+$0x1C0] =	vst v0  }
0x4f: {  	[tilespmem:s19+$0x1D0] =	vst v0  }
0x50: {  	[tilespmem:s19+$0x1E0] =	vst v0;
	s19 =	smov.u32 s12;
	s20 =	smov.u32 s11;
	s21 =	smov.u32 s10  }
0x51: {  	p3 =	seq.s32 s9, $0x200  }
.Ltmp2:
0x52: {  	_ = 	snop;
	(pc) =	sbr.rel @p3 .LBB2_7-.Ltmp2, $4  }
0x53: {  	_ = 	snop  }
0x54: {  	s19 =	simm.s32 $0x0  }
0x55: {  	s22 =	simm.s32 $0x200;
	s20 =	sand.u32 $0xFFFFFC00, s19  }
0x56: {  	p2 =	por $0x0, $0x0;
	s21 =	sand.u32 $0x200, s19;
	s20 =	sadd.s32 s5, s20  }
0x57: {  	s19 =	sor.u32 s21, s20;
	p3 =	seq.s32 s9, $0x400  }
.Ltmp3:
0x58: {  	s19 =	sshrl.u32 s19, $0x3;
	(pc) =	sbr.rel @p3 .LBB2_7-.Ltmp3, $4  }
0x59: {  	s31 =	sand.u32 $0xFFFFFC00, s22;
	s19 =	sadd.s32 s2, s19  }
0x5a: {  	[hbm4b:s19+s13] =	stream.strided.scatter [tilespmem:s3], [sflag:$0x1], $0x8000, s14, s13, $0x38;
	[tilespmem:$0x18000] =	vst v63  }
0x5b: {  	s21 =	sand.u32 $0x200, s22;
	p2 =	por $0x1, $0x1;
	_ =	swait.ge [sflag:s16], $0x8000  }
0x5c: {  	s20 =	sadd.s32 s5, s31;
	s19 =	simm.s32 $0x400;
	[sflag:s16] =	ssyncset.done $0x0  }
.LBB2_6:
0x5d: {  	s20 =	sor.u32 s21, s20;
	s21 =	smov.u32 s19;
	s19 =	sadd.s32 $0x200, s19  }
0x5e: {  	[sflag:s16] =	ssyncadd.s32 $0xFFFF8000;
	p3 =	seq.s32 s9, s19  }
.Ltmp4:
0x5f: {  	s20 =	sshrl.u32 s20, $0x3;
	(pc) =	sbr.rel @!p3 .LBB2_6-.Ltmp4, $4  }
0x60: {  	s20 =	sadd.s32 s2, s20  }
0x61: {  	[hbm4b:s20+s13] =	stream.strided.scatter [tilespmem:s3], [sflag:$0x1], $0x8000, s14, s13, $0x38;
	[tilespmem:$0x18000] =	vst v63  }
0x62: {  	s20 =	sand.u32 $0xFFFFFC00, s21;
	_ =	swait.ge [sflag:s16], $0x8000  }
0x63: {  	s21 =	sand.u32 $0x200, s21;
	s20 =	sadd.s32 s5, s20;
	[sflag:s16] =	ssyncset.done $0x0  }
.LBB2_7:
0x64: {  	s19 =	sor.u32 s21, s20  }
0x65: {  	s19 =	sshrl.u32 s19, $0x3  }
.Ltmp5:
0x66: {  	[sflag:s16] =	ssyncadd.s32 @p2 $0xFFFF8000;
	s19 =	sadd.s32 s2, s19;
	(pc) =	sbr.rel @p1 .LBB2_9-.Ltmp5, $4  }
0x67: {  	[hbm4b:s19+s13] =	stream.strided.scatter [tilespmem:s3], [sflag:$0x1], $0x8000, s14, s13, $0x38;
	[tilespmem:$0x18000] =	vst v63  }
0x68: {  	_ =	swait.ge [sflag:s16], $0x8000  }
0x69: {  	s20 =	smov.u32 s11;
	[sflag:s16] =	ssyncset.done $0x0  }
0x6a: {  	s21 =	smov.u32 s10;
	s19 =	smov.u32 s12;
	[sflag:s16] =	ssyncadd.s32 $0xFFFF8000  }
.LBB2_8:
0x6b: {  	[tilespmem:s15], [sflag:$0x1] =	stream.strided.gather [hbm4b:s19+s13], $0x8000, s14, s13, $0x38;
	[tilespmem:$0x18000] =	vst v63  }
0x6c: {  	_ =	swait.ge [sflag:s16], $0x8000  }
0x6d: {  	p2 =	sne.s32 s21, $0x1;
	[sflag:s16] =	ssyncset.done $0x0  }
.Ltmp6:
0x6e: {  	[sflag:s16] =	ssyncadd.s32 $0xFFFF8000;
	(pc) =	sbr.rel @p2 .LBB2_8-.Ltmp6, $4  }
0x6f: {  	[hbm4b:s20+s13] =	stream.strided.scatter [tilespmem:s15], [sflag:$0x1], $0x8000, s14, s13, $0x38;
	[tilespmem:$0x18000] =	vst v63  }
0x70: {  	_ =	swait.ge [sflag:s16], $0x8000  }
0x71: {  	s19 =	sadd.s32 $0x40, s19;
	[sflag:s16] =	ssyncset.done $0x0  }
0x72: {  	s21 =	sadd.s32 $0xFFFFFFFF, s21;
	s20 =	sadd.s32 $0x40, s20;
	[sflag:s16] =	ssyncadd.s32 $0xFFFF8000  }
.LBB2_9:
0x73: {  	[tilespmem:s17], [sflag:$0x1] =	stream.strided.gather [hbm4b:s6+s13], $0x8000, s14, s13, $0x38;
	[tilespmem:$0x18000] =	vst v63  }
0x74: {  	_ =	swait.ge [sflag:s16], $0x8000  }
0x75: {  	[sflag:s16] =	ssyncset.done $0x0  }
0x76: {  	s19 =	simm.s32 $0x10100;
	[sflag:s16] =	ssyncadd.s32 $0xFFFF8000  }
0x77: {  	v9 =	vld [tilespmem:s19+$0xFFFFFF00]  }
0x78: {  	v10 =	vld [tilespmem:s19+$0xFFFFFF10]  }
0x79: {  	s20 =	sadd.s32 $0x0, s4;
	v11 =	vld [tilespmem:s19+$0xFFFFFF20]  }
0x7a: {  	v12 =	vmov s20;
	v13 =	vld [tilespmem:s19+$0xFFFFFF30]  }
0x7b: {  	vm5 =	vlt.u32 v12, v1;
	v14 =	vld [tilespmem:s19+$0xFFFFFF40]  }
0x7c: {  	vm6 =	vlt.u32 v12, v2;
	v15 =	vld [tilespmem:s19+$0xFFFFFF50];
	v9 =	vnsel vm5, $0x0, v9  }
0x7d: {  	vm7 =	vlt.u32 v12, v3;
	[tilespmem:s19+$0xFFFFFF00] =	vst v9;
	v9 =	vnsel vm6, $0x0, v10;
	v10 =	vld [tilespmem:s19+$0xFFFFFF60]  }
0x7e: {  	vm0 =	vlt.u32 v12, v4;
	[tilespmem:s19+$0xFFFFFF10] =	vst v9;
	v9 =	vnsel vm7, $0x0, v11;
	v11 =	vld [tilespmem:s19+$0xFFFFFF70]  }
0x7f: {  	vm1 =	vlt.u32 v12, v5;
	[tilespmem:s19+$0xFFFFFF20] =	vst v9;
	v9 =	vnsel vm0, $0x0, v13;
	v13 =	vld [tilespmem:s19+$0xFFFFFF80]  }
0x80: {  	vm3 =	vlt.u32 v12, v6;
	[tilespmem:s19+$0xFFFFFF30] =	vst v9;
	v9 =	vnsel vm1, $0x0, v14;
	v14 =	vld [tilespmem:s19+$0xFFFFFF90]  }
0x81: {  	vm4 =	vlt.u32 v12, v7;
	[tilespmem:s19+$0xFFFFFF40] =	vst v9;
	v9 =	vnsel vm3, $0x0, v15;
	v15 =	vld [tilespmem:s19+$0xFFFFFFA0]  }
0x82: {  	vm2 =	vlt.u32 v12, v8;
	[tilespmem:s19+$0xFFFFFF50] =	vst v9;
	v9 =	vnsel vm4, $0x0, v10;
	v10 =	vld [tilespmem:s19+$0xFFFFFFB0]  }
0x83: {  	[tilespmem:s19+$0xFFFFFF60] =	vst v9;
	v9 =	vnsel vm2, $0x0, v11;
	v11 =	vld [tilespmem:s19+$0xFFFFFFC0]  }
0x84: {  	v12 =	vld [tilespmem:s19+$0xFFFFFFD0];
	[tilespmem:s19+$0xFFFFFF70] =	vst v9;
	v9 =	vnsel vm5, $0x0, v13  }
0x85: {  	v13 =	vld [tilespmem:s19+$0xFFFFFFE0];
	[tilespmem:s19+$0xFFFFFF80] =	vst v9;
	v9 =	vnsel vm6, $0x0, v14  }
0x86: {  	v14 =	vld [tilespmem:s19+$0x0];
	[tilespmem:s19+$0xFFFFFF90] =	vst v9;
	v9 =	vnsel vm7, $0x0, v15  }
0x87: {  	[tilespmem:s19+$0xFFFFFFA0] =	vst v9;
	v9 =	vnsel vm0, $0x0, v10;
	v10 =	vld [tilespmem:s19+$0x10]  }
0x88: {  	[tilespmem:s19+$0xFFFFFFB0] =	vst v9;
	v9 =	vnsel vm1, $0x0, v11;
	v11 =	vld [tilespmem:s19+$0x20]  }
0x89: {  	[tilespmem:s19+$0xFFFFFFC0] =	vst v9;
	v9 =	vnsel vm3, $0x0, v12;
	v12 =	vld [tilespmem:s19+$0x30]  }
0x8a: {  	[tilespmem:s19+$0xFFFFFFD0] =	vst v9;
	v9 =	vnsel vm4, $0x0, v13;
	v13 =	vld [tilespmem:s19+$0x40]  }
0x8b: {  	[tilespmem:s19+$0xFFFFFFE0] =	vst v9;
	v9 =	vnsel vm5, $0x0, v14;
	v14 =	vld [tilespmem:s19+$0x50]  }
0x8c: {  	[tilespmem:s19+$0x0] =	vst v9;
	v9 =	vnsel vm6, $0x0, v10;
	v10 =	vld [tilespmem:s19+$0x60]  }
0x8d: {  	[tilespmem:s19+$0x10] =	vst v9;
	v9 =	vnsel vm7, $0x0, v11;
	v11 =	vld [tilespmem:s19+$0x70]  }
0x8e: {  	[tilespmem:s19+$0x20] =	vst v9;
	v9 =	vnsel vm0, $0x0, v12;
	v12 =	vld [tilespmem:s19+$0x80]  }
0x8f: {  	[tilespmem:s19+$0x30] =	vst v9;
	v9 =	vnsel vm1, $0x0, v13;
	v13 =	vld [tilespmem:s19+$0x90]  }
0x90: {  	[tilespmem:s19+$0x40] =	vst v9;
	v9 =	vnsel vm3, $0x0, v14;
	v14 =	vld [tilespmem:s19+$0xA0]  }
0x91: {  	[tilespmem:s19+$0x50] =	vst v9;
	v10 =	vnsel vm4, $0x0, v10;
	v9 =	vld [tilespmem:s19+$0xB0]  }
0x92: {  	[tilespmem:s19+$0x60] =	vst v10;
	v11 =	vnsel vm2, $0x0, v11;
	v10 =	vld [tilespmem:s19+$0xC0]  }
0x93: {  	[tilespmem:s19+$0x70] =	vst v11;
	v12 =	vnsel vm5, $0x0, v12;
	v11 =	vld [tilespmem:s19+$0xD0]  }
0x94: {  	[tilespmem:s19+$0x80] =	vst v12;
	v13 =	vnsel vm6, $0x0, v13;
	v12 =	vld [tilespmem:s19+$0xE0]  }
0x95: {  	s21 =	simm.s32 $0x10100;
	s20 =	simm.s32 $0x1;
	[tilespmem:s19+$0x90] =	vst v13;
	v14 =	vnsel vm7, $0x0, v14;
	v13 =	vld [tilespmem:s19+$0xF0]  }
.LBB2_10:
0x96: {  	p2 =	sne.s32 s20, $0x3F;
	v15 =	vld [tilespmem:s19+$0xFFFFFFF0];
	[tilespmem:s19+$0xA0] =	vst v14;
	v9 =	vnsel vm0, $0x0, v9;
	s21 =	sadd.s32 $0x200, s21  }
0x97: {  	v14 =	vld [tilespmem:s21+$0xFFFFFF00];
	[tilespmem:s19+$0xB0] =	vst v9;
	v9 =	vnsel vm1, $0x0, v10  }
0x98: {  	v10 =	vld [tilespmem:s21+$0xFFFFFF10];
	[tilespmem:s19+$0xC0] =	vst v9;
	v9 =	vnsel vm3, $0x0, v11  }
0x99: {  	s22 =	sadd.s32 s20, s4;
	v11 =	vld [tilespmem:s21+$0xFFFFFF20];
	[tilespmem:s19+$0xD0] =	vst v9;
	v9 =	vnsel vm4, $0x0, v12  }
0x9a: {  	v12 =	vmov s22;
	v16 =	vld [tilespmem:s21+$0xFFFFFF30];
	[tilespmem:s19+$0xE0] =	vst v9;
	v9 =	vnsel vm2, $0x0, v13  }
0x9b: {  	vm5 =	vlt.u32 v12, v1;
	v13 =	vld [tilespmem:s21+$0xFFFFFF40];
	v15 =	vnsel vm2, $0x0, v15;
	[tilespmem:s19+$0xF0] =	vst v9  }
0x9c: {  	vm6 =	vlt.u32 v12, v2;
	v9 =	vnsel vm5, $0x0, v14;
	v14 =	vld [tilespmem:s21+$0xFFFFFF50];
	[tilespmem:s19+$0xFFFFFFF0] =	vst v15;
	s19 =	smov.u32 s21  }
0x9d: {  	vm7 =	vlt.u32 v12, v3;
	[tilespmem:s21+$0xFFFFFF00] =	vst v9;
	v9 =	vnsel vm6, $0x0, v10;
	v10 =	vld [tilespmem:s21+$0xFFFFFF60]  }
0x9e: {  	vm0 =	vlt.u32 v12, v4;
	[tilespmem:s21+$0xFFFFFF10] =	vst v9;
	v9 =	vnsel vm7, $0x0, v11;
	v11 =	vld [tilespmem:s21+$0xFFFFFF70]  }
0x9f: {  	vm1 =	vlt.u32 v12, v5;
	[tilespmem:s21+$0xFFFFFF20] =	vst v9;
	v9 =	vnsel vm0, $0x0, v16;
	v15 =	vld [tilespmem:s21+$0xFFFFFF80]  }
0xa0: {  	vm3 =	vlt.u32 v12, v6;
	[tilespmem:s21+$0xFFFFFF30] =	vst v9;
	v9 =	vnsel vm1, $0x0, v13;
	v13 =	vld [tilespmem:s21+$0xFFFFFF90]  }
0xa1: {  	vm4 =	vlt.u32 v12, v7;
	[tilespmem:s21+$0xFFFFFF40] =	vst v9;
	v9 =	vnsel vm3, $0x0, v14;
	v14 =	vld [tilespmem:s21+$0xFFFFFFA0]  }
0xa2: {  	vm2 =	vlt.u32 v12, v8;
	[tilespmem:s21+$0xFFFFFF50] =	vst v9;
	v9 =	vnsel vm4, $0x0, v10;
	v10 =	vld [tilespmem:s21+$0xFFFFFFB0]  }
0xa3: {  	[tilespmem:s21+$0xFFFFFF60] =	vst v9;
	v9 =	vnsel vm2, $0x0, v11;
	v11 =	vld [tilespmem:s21+$0xFFFFFFC0]  }
0xa4: {  	[tilespmem:s21+$0xFFFFFF70] =	vst v9;
	v9 =	vnsel vm5, $0x0, v15;
	v12 =	vld [tilespmem:s21+$0xFFFFFFD0]  }
0xa5: {  	[tilespmem:s21+$0xFFFFFF80] =	vst v9;
	v9 =	vnsel vm6, $0x0, v13;
	v13 =	vld [tilespmem:s21+$0xFFFFFFE0]  }
0xa6: {  	[tilespmem:s21+$0xFFFFFF90] =	vst v9;
	v9 =	vnsel vm7, $0x0, v14;
	v14 =	vld [tilespmem:s21+$0x0]  }
0xa7: {  	[tilespmem:s21+$0xFFFFFFA0] =	vst v9;
	v9 =	vnsel vm0, $0x0, v10;
	v10 =	vld [tilespmem:s21+$0x10]  }
0xa8: {  	[tilespmem:s21+$0xFFFFFFB0] =	vst v9;
	v9 =	vnsel vm1, $0x0, v11;
	v11 =	vld [tilespmem:s21+$0x20]  }
0xa9: {  	[tilespmem:s21+$0xFFFFFFC0] =	vst v9;
	v9 =	vnsel vm3, $0x0, v12;
	v12 =	vld [tilespmem:s21+$0x30]  }
0xaa: {  	[tilespmem:s21+$0xFFFFFFD0] =	vst v9;
	v9 =	vnsel vm4, $0x0, v13;
	v13 =	vld [tilespmem:s21+$0x40]  }
0xab: {  	[tilespmem:s21+$0xFFFFFFE0] =	vst v9;
	v9 =	vnsel vm5, $0x0, v14;
	v14 =	vld [tilespmem:s21+$0x50]  }
0xac: {  	[tilespmem:s21+$0x0] =	vst v9;
	v9 =	vnsel vm6, $0x0, v10;
	v10 =	vld [tilespmem:s21+$0x60]  }
0xad: {  	[tilespmem:s21+$0x10] =	vst v9;
	v9 =	vnsel vm7, $0x0, v11;
	v11 =	vld [tilespmem:s21+$0x70]  }
0xae: {  	[tilespmem:s21+$0x20] =	vst v9;
	v9 =	vnsel vm0, $0x0, v12;
	v12 =	vld [tilespmem:s21+$0x80]  }
0xaf: {  	[tilespmem:s21+$0x30] =	vst v9;
	v9 =	vnsel vm1, $0x0, v13;
	v13 =	vld [tilespmem:s21+$0x90]  }
0xb0: {  	[tilespmem:s21+$0x40] =	vst v9;
	v9 =	vnsel vm3, $0x0, v14;
	v14 =	vld [tilespmem:s21+$0xA0]  }
.Ltmp7:
0xb1: {  	[tilespmem:s21+$0x50] =	vst v9;
	v10 =	vnsel vm4, $0x0, v10;
	v9 =	vld [tilespmem:s21+$0xB0];
	(pc) =	sbr.rel @p2 .LBB2_10-.Ltmp7, $4  }
0xb2: {  	[tilespmem:s21+$0x60] =	vst v10;
	v11 =	vnsel vm2, $0x0, v11;
	v10 =	vld [tilespmem:s21+$0xC0]  }
0xb3: {  	[tilespmem:s21+$0x70] =	vst v11;
	v12 =	vnsel vm5, $0x0, v12;
	v11 =	vld [tilespmem:s21+$0xD0]  }
0xb4: {  	[tilespmem:s21+$0x80] =	vst v12;
	v13 =	vnsel vm6, $0x0, v13;
	v12 =	vld [tilespmem:s21+$0xE0]  }
0xb5: {  	s20 =	sadd.s32 $0x1, s20;
	[tilespmem:s21+$0x90] =	vst v13;
	v14 =	vnsel vm7, $0x0, v14;
	v13 =	vld [tilespmem:s21+$0xF0]  }
0xb6: {  	v15 =	vld [tilespmem:s19+$0xFFFFFFF0];
	[tilespmem:s19+$0xA0] =	vst v14;
	v9 =	vnsel vm0, $0x0, v9  }
0xb7: {  	[tilespmem:s19+$0xB0] =	vst v9;
	v9 =	vnsel vm1, $0x0, v10  }
0xb8: {  	[tilespmem:s19+$0xC0] =	vst v9;
	v9 =	vnsel vm3, $0x0, v11  }
0xb9: {  	[tilespmem:s19+$0xD0] =	vst v9;
	v9 =	vnsel vm4, $0x0, v12  }
0xba: {  	s18 =	sadd.s32 $0x1, s18;
	[tilespmem:s19+$0xE0] =	vst v9;
	v9 =	vnsel vm2, $0x0, v13  }
0xbb: {  	p2 =	sne.s32 s18, s8;
	v10 =	vnsel vm2, $0x0, v15;
	[tilespmem:s19+$0xF0] =	vst v9  }
.Ltmp8:
0xbc: {  	[tilespmem:s19+$0xFFFFFFF0] =	vst v10;
	(pc) =	sbr.rel @p2 .LBB2_1-.Ltmp8, $4  }
0xbd: {  	[hbm4b:s7+s13] =	stream.strided.scatter [tilespmem:s17], [sflag:$0x1], $0x8000, s14, s13, $0x38;
	[tilespmem:$0x18000] =	vst v63  }
0xbe: {  	_ =	swait.ge [sflag:s16], $0x8000  }
0xbf: {  	[sflag:s16] =	ssyncset.done $0x0  }
0xc0: {  	[sflag:s16] =	ssyncadd.s32 $0xFFFF8000  }
0xc1: {  	_ =	sfence.sel $0x180000  }
0xc2: {  	[bflag:$0x0] =	sbarrier.arrive $0xFFFF  }
0xc3: {  	p0 =	sne.s32 s1, $0x0;
	_ =	strace $0x90000047  }
0xc4: {  	s0 =	sadd.s32 @!p0 $0x100000, s0;
	[bflag:$0x2] =	sbarrier.arrive $0xFFFF  }
0xc5: {  	[sflag:s0] =	ssyncadd.tile.s32 @!p0 $0x1;
	_ =	shalt  }
.Lfunc_end2:
_tile_overlayer_lowered:
.L_overlay_start_2:
0xc6: {  	(tag) =	ssettag $0x2  }
0xc7: {  	s0 =	rddreg [dreg:$0x0];
	s2 =	stileid.u32  }
0xc8: {  	s1 =	rddreg [dreg:$0x1];
	p0 =	sne.s32 s2, $0x0  }
0xc9: {  	s3 =	rddreg [dreg:$0x2];
	[bflag:$0x3] =	sbarrier.arrive $0xFFFF;
	s2 =	simm.s32 @!p0 $0x1C01  }
0xca: {  	[timem:s3], [sflag:s2] =	dma.local @!p0 [hbm:s0], s1  }
0xcb: {  	s0 =	simm.s32 @!p0 $0x1  }
0xcc: {  	_ =	swait.ge @!p0 [sflag:s0], s1  }
0xcd: {  	s1 =	ssub.s32 @!p0 $0x0, s1;
	[sflag:s0] =	ssyncset.done @!p0 $0x0  }
0xce: {  	[sflag:s0] =	ssyncadd.s32 @!p0 s1  }
0xcf: {  	[bflag:$0x3] =	sbarrier.arrive $0xFFFF  }
0xd0: {  	_ =	shalt  }

</sc_bundles>
